<compile_context>
chip_gen: v7x
topology: tpu7x:2x2x1
jax: 0.10.2.dev20260603
libtpu: 0.0.44.dev20260713+nightly
codegen_flags: <defaults>
</compile_context>

<pallas_src>
import functools

import jax
import jax.numpy as jnp
from jax import lax
from jax.experimental import pallas as pl
from jax.experimental.pallas import tpu as pltpu
from jax.experimental.pallas import tpu_sc as plsc

_D = 128
_DF = 144
_CHUNK = 64
_NBUF = 4


@functools.lru_cache(maxsize=None)
def _make_sc_segsum(n_pad, e2_pad, nc, ns):
    nw = nc * ns
    per_tile = e2_pad // nw
    nchunks = per_tile // _CHUNK
    assert nchunks % _NBUF == 0 and nchunks >= 2 * _NBUF
    rows_per_tile = n_pad // ns
    zchunk = _CHUNK
    assert rows_per_tile % zchunk == 0

    mesh = plsc.VectorSubcoreMesh(core_axis_name="c", subcore_axis_name="s")

    @functools.partial(
        pl.kernel,
        mesh=mesh,
        out_type=jax.ShapeDtypeStruct((nc, n_pad, _DF), jnp.float32),
        scratch_types=(
            [pltpu.VMEM((_CHUNK,), jnp.int32)] * _NBUF
            + [pltpu.VMEM((_CHUNK,), jnp.int32)] * _NBUF
            + [pltpu.VMEM((_CHUNK, _DF), jnp.float32)] * _NBUF
            + [pltpu.VMEM_SHARED((n_pad, _DF), jnp.float32)]
            + [pltpu.SemaphoreType.DMA] * (4 * _NBUF)
        ),
        compiler_params=pltpu.CompilerParams(use_tc_tiling_on_sc=False),
    )
    def segsum(faug_hbm, gid_hbm, seg_hbm, out_hbm, *scratch):
        gibuf = scratch[:_NBUF]
        sibuf = scratch[_NBUF:2 * _NBUF]
        rows = scratch[2 * _NBUF:3 * _NBUF]
        acc_sh = scratch[3 * _NBUF]
        sems = scratch[3 * _NBUF + 1:]
        gisem = sems[:_NBUF]
        sisem = sems[_NBUF:2 * _NBUF]
        gsem = sems[2 * _NBUF:3 * _NBUF]
        ssem = sems[3 * _NBUF:]
        cid = lax.axis_index("c")
        sid = lax.axis_index("s")
        wid = cid * ns + sid

        def _idx_start(c, b):
            base = wid * per_tile + c * _CHUNK
            pltpu.async_copy(gid_hbm.at[pl.ds(base, _CHUNK)], gibuf[b], gisem[b])
            pltpu.async_copy(seg_hbm.at[pl.ds(base, _CHUNK)], sibuf[b], sisem[b])

        def _idx_wait(c, b):
            base = wid * per_tile + c * _CHUNK
            pltpu.make_async_copy(gid_hbm.at[pl.ds(base, _CHUNK)], gibuf[b], gisem[b]).wait()
            pltpu.make_async_copy(seg_hbm.at[pl.ds(base, _CHUNK)], sibuf[b], sisem[b]).wait()

        def _gather_start(b):
            pltpu.async_copy(faug_hbm.at[gibuf[b]], rows[b], gsem[b])

        def _gather_wait(b):
            pltpu.make_async_copy(faug_hbm.at[gibuf[b]], rows[b], gsem[b]).wait()

        def _scat_start(b):
            pltpu.async_copy(rows[b], acc_sh.at[sibuf[b]], ssem[b], add=True)

        def _scat_wait(b):
            pltpu.make_async_copy(rows[b], acc_sh.at[sibuf[b]], ssem[b]).wait()

        for b in range(_NBUF):
            _idx_start(b, b)

        def _zrow(r, carry):
            for j in range(_DF // 16):
                rows[0][r, pl.ds(j * 16, 16)] = jnp.zeros((16,), jnp.float32)
            return carry

        lax.fori_loop(0, zchunk, _zrow, 0)
        for k in range(rows_per_tile // zchunk):
            pltpu.async_copy(
                rows[0],
                acc_sh.at[pl.ds(sid * rows_per_tile + k * zchunk, zchunk)],
                ssem[k % _NBUF],
            )
        for k in range(rows_per_tile // zchunk):
            pltpu.make_async_copy(
                rows[0],
                acc_sh.at[pl.ds(sid * rows_per_tile + k * zchunk, zchunk)],
                ssem[k % _NBUF],
            ).wait()
        plsc.subcore_barrier()

        for b in range(_NBUF):
            _idx_wait(b, b)
            _gather_start(b)

        def _body(i, carry):
            c = _NBUF * i
            for b in range(_NBUF):
                _gather_wait(b)
                _idx_start(c + b + _NBUF, b)
                _scat_start(b)
            for b in range(_NBUF):
                _scat_wait(b)
                _idx_wait(c + b + _NBUF, b)
                _gather_start(b)
            return carry

        lax.fori_loop(0, nchunks // _NBUF - 1, _body, 0)

        for b in range(_NBUF):
            _gather_wait(b)
            _scat_start(b)
        for b in range(_NBUF):
            _scat_wait(b)

        plsc.subcore_barrier()
        pltpu.sync_copy(
            acc_sh.at[pl.ds(sid * rows_per_tile, rows_per_tile)],
            out_hbm.at[cid, pl.ds(sid * rows_per_tile, rows_per_tile)],
        )

    return segsum


@functools.lru_cache(maxsize=None)
def _make_mlp(n_out, nc, blk, d2, d3, dp):
    def body(x_ref, parts_ref, ops_ref, w1a_ref, w1b_ref, b1_ref, w2_ref,
             b2_ref, w3_ref, b3_ref, wp1_ref, bp1_ref, wp2_ref, bp2_ref, out_ref):
        nb = parts_ref[0]
        for c in range(1, nc):
            nb = nb + parts_ref[c]
        nb_sum = nb[:, :_D]
        deg = nb[:, _D:_D + 1]
        mean = nb_sum / jnp.maximum(deg, 1.0)
        x = x_ref[...]
        h = x @ w1a_ref[...] + mean @ w1b_ref[...] + b1_ref[...]
        h = jnp.maximum(h, 0.0)
        h = jnp.maximum(h @ w2_ref[...] + b2_ref[...], 0.0)
        g = h @ w3_ref[...] + b3_ref[...]
        pos = g[:, :3]
        nf = g[:, 3:]
        p = jnp.maximum(nf @ wp1_ref[...] + bp1_ref[...], 0.0)
        ip = jax.nn.sigmoid(p @ wp2_ref[...] + bp2_ref[...])
        ops = ops_ref[...]
        mx = jnp.max(ops, axis=1, keepdims=True)
        ex = jnp.exp(ops - mx)
        p0 = ex[:, 0:1] / jnp.sum(ex, axis=1, keepdims=True)
        m = jnp.logical_and(p0 > 0.5, deg > 0).astype(jnp.float32)
        out_ref[...] = jnp.concatenate([pos * m, nf * m, ip * m], axis=1)

    return pl.pallas_call(
        body,
        grid=(n_out // blk,),
        in_specs=[
            pl.BlockSpec((blk, _D), lambda i: (i, 0)),
            pl.BlockSpec((nc, blk, _DF), lambda i: (0, i, 0)),
            pl.BlockSpec((blk, 4), lambda i: (i, 0)),
            pl.BlockSpec((_D, _D), lambda i: (0, 0)),
            pl.BlockSpec((_D, _D), lambda i: (0, 0)),
            pl.BlockSpec((1, _D), lambda i: (0, 0)),
            pl.BlockSpec((_D, d2), lambda i: (0, 0)),
            pl.BlockSpec((1, d2), lambda i: (0, 0)),
            pl.BlockSpec((d2, d3), lambda i: (0, 0)),
            pl.BlockSpec((1, d3), lambda i: (0, 0)),
            pl.BlockSpec((_D, dp), lambda i: (0, 0)),
            pl.BlockSpec((1, dp), lambda i: (0, 0)),
            pl.BlockSpec((dp, 1), lambda i: (0, 0)),
            pl.BlockSpec((1, 1), lambda i: (0, 0)),
        ],
        out_specs=pl.BlockSpec((blk, d3 + 1), lambda i: (i, 0)),
        out_shape=jax.ShapeDtypeStruct((n_out, d3 + 1), jnp.float32),
    )


def kernel(node_features, edge_index, node_operations, W1, b1, W2, b2, W3, b3,
           Wp1, bp1, Wp2, bp2):
    n, d = node_features.shape
    e = edge_index.shape[1]
    info = plsc.get_sparse_core_info()
    nc, ns = info.num_cores, info.num_subcores
    nw = nc * ns

    n_pad = ((n + 1023) // 1024) * 1024
    if n_pad == n:
        n_pad += 1024
    e2 = 2 * e
    per_tile = -(-e2 // (nw * _NBUF * _CHUNK)) * _NBUF * _CHUNK
    e2_pad = per_tile * nw
    padn = e2_pad - e2

    src = edge_index[0].astype(jnp.int32)
    dst = edge_index[1].astype(jnp.int32)
    ar = jnp.arange(padn, dtype=jnp.int32)
    seg = jnp.concatenate([src, dst, n + ar % (n_pad - n)])
    gid = jnp.concatenate([dst, src, ar % n])

    faug = jnp.concatenate(
        [
            jnp.concatenate(
                [node_features,
                 jnp.ones((n, 1), jnp.float32),
                 jnp.zeros((n, _DF - d - 1), jnp.float32)], axis=1),
            jnp.zeros((n_pad - n, _DF), jnp.float32),
        ],
        axis=0,
    )

    parts = _make_sc_segsum(n_pad, e2_pad, nc, ns)(faug, gid, seg)

    d2 = W2.shape[1]
    d3 = W3.shape[1]
    dp = Wp1.shape[1]
    blk = 1000
    assert n % blk == 0
    mlp = _make_mlp(n, nc, blk, d2, d3, dp)
    return mlp(
        node_features, parts, node_operations,
        W1[:d], W1[d:], b1.reshape(1, -1),
        W2, b2.reshape(1, -1),
        W3, b3.reshape(1, -1),
        Wp1, bp1.reshape(1, -1),
        Wp2, bp2.reshape(1, -1),
    )

# --- scband reference (transcript-rebuilt; emitter-appended) ---
"""Pipeline reference for scband-node-generator-85856396247142 (READ-ONLY COPY).

The authoritative reference and input builder live on the scoring server;
editing this copy changes nothing except your own understanding.
"""

import jax, jax.numpy as jnp
import numpy as np

FEATURE_DIM = 128
N_NODES = 10000
N_EDGES = 320000


def _linear_params(key, fan_in, fan_out):
    k1, k2 = jax.random.split(key)
    bound = 1.0 / np.sqrt(fan_in)
    W = jax.random.uniform(k1, (fan_in, fan_out), minval=-bound, maxval=bound, dtype=jnp.float32)
    b = jax.random.uniform(k2, (fan_out,), minval=-bound, maxval=bound, dtype=jnp.float32)
    return W, b


def setup_inputs(seed: int = 0):
    key = jax.random.key(seed)
    ks = jax.random.split(key, 8)
    node_features = jax.random.normal(ks[0], (N_NODES, FEATURE_DIM), dtype=jnp.float32)
    edge_index = jax.random.randint(ks[1], (2, N_EDGES), 0, N_NODES, dtype=jnp.int32)
    node_operations = jax.random.normal(ks[2], (N_NODES, 4), dtype=jnp.float32)
    W1, b1 = _linear_params(ks[3], 2 * FEATURE_DIM, 128)
    W2, b2 = _linear_params(ks[4], 128, 64)
    W3, b3 = _linear_params(ks[5], 64, FEATURE_DIM + 3)
    Wp1, bp1 = _linear_params(ks[6], FEATURE_DIM, 32)
    Wp2, bp2 = _linear_params(ks[7], 32, 1)
    return {
        'node_features': node_features,
        'edge_index': edge_index,
        'node_operations': node_operations,
        'W1': W1, 'b1': b1, 'W2': W2, 'b2': b2, 'W3': W3, 'b3': b3,
        'Wp1': Wp1, 'bp1': bp1, 'Wp2': Wp2, 'bp2': bp2,
    }


def reference(node_features, edge_index, node_operations, W1, b1, W2, b2, W3, b3, Wp1, bp1, Wp2, bp2):
    N = node_features.shape[0]
    # candidate selection: softmax over op logits, insert prob is class 0
    insert_probs = jax.nn.softmax(node_operations, axis=-1)[:, 0]
    cand_mask = insert_probs > 0.5
    # neighbor mean over union of outgoing and incoming edges (vectorized message passing)
    src = edge_index[0]
    dst = edge_index[1]
    seg_ids = jnp.concatenate([src, dst], axis=0)
    nb_vals = jnp.concatenate([node_features[dst], node_features[src]], axis=0)
    nb_sum = jax.ops.segment_sum(nb_vals, seg_ids, num_segments=N)
    deg = jax.ops.segment_sum(jnp.ones(seg_ids.shape[0], dtype=node_features.dtype), seg_ids, num_segments=N)
    nb_mean = nb_sum / jnp.maximum(deg, 1.0)[:, None]
    has_nb = deg > 0
    # node generator MLP on [own_feat, neighbor_mean]
    context = jnp.concatenate([node_features, nb_mean], axis=1)
    h = jax.nn.relu(context @ W1 + b1)
    h = jax.nn.relu(h @ W2 + b2)
    generated = h @ W3 + b3
    new_position = generated[:, :3]
    new_features = generated[:, 3:]
    # insertion predictor MLP
    p = jax.nn.relu(new_features @ Wp1 + bp1)
    insertion_prob = jax.nn.sigmoid(p @ Wp2 + bp2)[:, 0]
    # mask non-candidates / isolated nodes (static-shape analogue of the dynamic gather)
    valid = jnp.logical_and(cand_mask, has_nb)
    m = valid.astype(node_features.dtype)[:, None]
    out = jnp.concatenate([new_position * m, new_features * m, (insertion_prob * valid.astype(node_features.dtype))[:, None]], axis=1)
    return out

if __name__ == "__main__":
    import jax
    _d = setup_inputs()
    print(jax.jit(kernel)(*tuple(_d.values())))

</pallas_src>

<mosaic_0001>
#map = affine_map<(d0, d1) -> (0, 0)>
#map1 = affine_map<(d0, d1) -> (0)>
#map2 = affine_map<(d0, d1) -> (0, 0, 0)>
module attributes {stable_mosaic.version = 14 : i64} {
  func.func @segsum(%arg0: i32, %arg1: i32, %arg2: memref<10240x144xf32, #tpu.memory_space<hbm>>, %arg3: memref<647168xi32, #tpu.memory_space<hbm>>, %arg4: memref<647168xi32, #tpu.memory_space<hbm>>, %arg5: memref<2x10240x144xf32, #tpu.memory_space<hbm>>, %arg6: memref<64xi32, #tpu.memory_space<vmem>>, %arg7: memref<64xi32, #tpu.memory_space<vmem>>, %arg8: memref<64xi32, #tpu.memory_space<vmem>>, %arg9: memref<64xi32, #tpu.memory_space<vmem>>, %arg10: memref<64xi32, #tpu.memory_space<vmem>>, %arg11: memref<64xi32, #tpu.memory_space<vmem>>, %arg12: memref<64xi32, #tpu.memory_space<vmem>>, %arg13: memref<64xi32, #tpu.memory_space<vmem>>, %arg14: memref<64x144xf32, #tpu.memory_space<vmem>>, %arg15: memref<64x144xf32, #tpu.memory_space<vmem>>, %arg16: memref<64x144xf32, #tpu.memory_space<vmem>>, %arg17: memref<64x144xf32, #tpu.memory_space<vmem>>, %arg18: memref<10240x144xf32, #tpu.memory_space<vmem_shared>>, %arg19: memref<!tpu.dma_semaphore, #tpu.memory_space<semaphore_mem>>, %arg20: memref<!tpu.dma_semaphore, #tpu.memory_space<semaphore_mem>>, %arg21: memref<!tpu.dma_semaphore, #tpu.memory_space<semaphore_mem>>, %arg22: memref<!tpu.dma_semaphore, #tpu.memory_space<semaphore_mem>>, %arg23: memref<!tpu.dma_semaphore, #tpu.memory_space<semaphore_mem>>, %arg24: memref<!tpu.dma_semaphore, #tpu.memory_space<semaphore_mem>>, %arg25: memref<!tpu.dma_semaphore, #tpu.memory_space<semaphore_mem>>, %arg26: memref<!tpu.dma_semaphore, #tpu.memory_space<semaphore_mem>>, %arg27: memref<!tpu.dma_semaphore, #tpu.memory_space<semaphore_mem>>, %arg28: memref<!tpu.dma_semaphore, #tpu.memory_space<semaphore_mem>>, %arg29: memref<!tpu.dma_semaphore, #tpu.memory_space<semaphore_mem>>, %arg30: memref<!tpu.dma_semaphore, #tpu.memory_space<semaphore_mem>>, %arg31: memref<!tpu.dma_semaphore, #tpu.memory_space<semaphore_mem>>, %arg32: memref<!tpu.dma_semaphore, #tpu.memory_space<semaphore_mem>>, %arg33: memref<!tpu.dma_semaphore, #tpu.memory_space<semaphore_mem>>, %arg34: memref<!tpu.dma_semaphore, #tpu.memory_space<semaphore_mem>>) attributes {dimension_semantics = [#tpu.dimension_semantics<core_parallel>, #tpu.dimension_semantics<subcore_parallel>], iteration_bounds = array<i64: 2, 16>, scalar_prefetch = 0 : i64, scratch_operands = 29 : i64, tpu.core_type = #tpu.core_type<sc_vector_subcore>, window_params = [{transform_indices = #map}, {transform_indices = #map1}, {transform_indices = #map1}, {transform_indices = #map2}]} {
    %mul3A = arith.constant 16 : i32
    %mul3A_0 = arith.muli %arg0, %mul3A : i32
    %add3A = arith.addi %mul3A_0, %arg1 : i32
    %mul3A_1 = arith.constant 20224 : i32
    %mul3A_2 = arith.muli %add3A, %mul3A_1 : i32
    %add3A_3 = arith.constant 0 : i32
    %add3A_4 = arith.addi %mul3A_2, %add3A_3 : i32
    %dma_start3A = tpu.memref_slice %arg3[%add3A_4] : memref<647168xi32, #tpu.memory_space<hbm>> -> memref<64xi32, #tpu.memory_space<hbm>>
    %dma_start3A_5 = tpu.memref_slice %arg3[%add3A_4] : memref<647168xi32, #tpu.memory_space<hbm>> -> memref<64xi32, #tpu.memory_space<hbm>>
    tpu.enqueue_dma source(%dma_start3A_5 : memref<64xi32, #tpu.memory_space<hbm>>) target(%arg6 : memref<64xi32, #tpu.memory_space<vmem>>) target_semaphore(%arg19 : memref<!tpu.dma_semaphore, #tpu.memory_space<semaphore_mem>>)
    %dma_start3A_6 = tpu.memref_slice %arg4[%add3A_4] : memref<647168xi32, #tpu.memory_space<hbm>> -> memref<64xi32, #tpu.memory_space<hbm>>
    %dma_start3A_7 = tpu.memref_slice %arg4[%add3A_4] : memref<647168xi32, #tpu.memory_space<hbm>> -> memref<64xi32, #tpu.memory_space<hbm>>
    tpu.enqueue_dma source(%dma_start3A_7 : memref<64xi32, #tpu.memory_space<hbm>>) target(%arg10 : memref<64xi32, #tpu.memory_space<vmem>>) target_semaphore(%arg23 : memref<!tpu.dma_semaphore, #tpu.memory_space<semaphore_mem>>)
    %mul3A_8 = arith.constant 20224 : i32
    %mul3A_9 = arith.muli %add3A, %mul3A_8 : i32
    %add3A_10 = arith.constant 64 : i32
    %add3A_11 = arith.addi %mul3A_9, %add3A_10 : i32
    %dma_start3A_12 = tpu.memref_slice %arg3[%add3A_11] : memref<647168xi32, #tpu.memory_space<hbm>> -> memref<64xi32, #tpu.memory_space<hbm>>
    %dma_start3A_13 = tpu.memref_slice %arg3[%add3A_11] : memref<647168xi32, #tpu.memory_space<hbm>> -> memref<64xi32, #tpu.memory_space<hbm>>
    tpu.enqueue_dma source(%dma_start3A_13 : memref<64xi32, #tpu.memory_space<hbm>>) target(%arg7 : memref<64xi32, #tpu.memory_space<vmem>>) target_semaphore(%arg20 : memref<!tpu.dma_semaphore, #tpu.memory_space<semaphore_mem>>)
    %dma_start3A_14 = tpu.memref_slice %arg4[%add3A_11] : memref<647168xi32, #tpu.memory_space<hbm>> -> memref<64xi32, #tpu.memory_space<hbm>>
    %dma_start3A_15 = tpu.memref_slice %arg4[%add3A_11] : memref<647168xi32, #tpu.memory_space<hbm>> -> memref<64xi32, #tpu.memory_space<hbm>>
    tpu.enqueue_dma source(%dma_start3A_15 : memref<64xi32, #tpu.memory_space<hbm>>) target(%arg11 : memref<64xi32, #tpu.memory_space<vmem>>) target_semaphore(%arg24 : memref<!tpu.dma_semaphore, #tpu.memory_space<semaphore_mem>>)
    %mul3A_16 = arith.constant 20224 : i32
    %mul3A_17 = arith.muli %add3A, %mul3A_16 : i32
    %add3A_18 = arith.constant 128 : i32
    %add3A_19 = arith.addi %mul3A_17, %add3A_18 : i32
    %dma_start3A_20 = tpu.memref_slice %arg3[%add3A_19] : memref<647168xi32, #tpu.memory_space<hbm>> -> memref<64xi32, #tpu.memory_space<hbm>>
    %dma_start3A_21 = tpu.memref_slice %arg3[%add3A_19] : memref<647168xi32, #tpu.memory_space<hbm>> -> memref<64xi32, #tpu.memory_space<hbm>>
    tpu.enqueue_dma source(%dma_start3A_21 : memref<64xi32, #tpu.memory_space<hbm>>) target(%arg8 : memref<64xi32, #tpu.memory_space<vmem>>) target_semaphore(%arg21 : memref<!tpu.dma_semaphore, #tpu.memory_space<semaphore_mem>>)
    %dma_start3A_22 = tpu.memref_slice %arg4[%add3A_19] : memref<647168xi32, #tpu.memory_space<hbm>> -> memref<64xi32, #tpu.memory_space<hbm>>
    %dma_start3A_23 = tpu.memref_slice %arg4[%add3A_19] : memref<647168xi32, #tpu.memory_space<hbm>> -> memref<64xi32, #tpu.memory_space<hbm>>
    tpu.enqueue_dma source(%dma_start3A_23 : memref<64xi32, #tpu.memory_space<hbm>>) target(%arg12 : memref<64xi32, #tpu.memory_space<vmem>>) target_semaphore(%arg25 : memref<!tpu.dma_semaphore, #tpu.memory_space<semaphore_mem>>)
    %mul3A_24 = arith.constant 20224 : i32
    %mul3A_25 = arith.muli %add3A, %mul3A_24 : i32
    %add3A_26 = arith.constant 192 : i32
    %add3A_27 = arith.addi %mul3A_25, %add3A_26 : i32
    %dma_start3A_28 = tpu.memref_slice %arg3[%add3A_27] : memref<647168xi32, #tpu.memory_space<hbm>> -> memref<64xi32, #tpu.memory_space<hbm>>
    %dma_start3A_29 = tpu.memref_slice %arg3[%add3A_27] : memref<647168xi32, #tpu.memory_space<hbm>> -> memref<64xi32, #tpu.memory_space<hbm>>
    tpu.enqueue_dma source(%dma_start3A_29 : memref<64xi32, #tpu.memory_space<hbm>>) target(%arg9 : memref<64xi32, #tpu.memory_space<vmem>>) target_semaphore(%arg22 : memref<!tpu.dma_semaphore, #tpu.memory_space<semaphore_mem>>)
    %dma_start3A_30 = tpu.memref_slice %arg4[%add3A_27] : memref<647168xi32, #tpu.memory_space<hbm>> -> memref<64xi32, #tpu.memory_space<hbm>>
    %dma_start3A_31 = tpu.memref_slice %arg4[%add3A_27] : memref<647168xi32, #tpu.memory_space<hbm>> -> memref<64xi32, #tpu.memory_space<hbm>>
    tpu.enqueue_dma source(%dma_start3A_31 : memref<64xi32, #tpu.memory_space<hbm>>) target(%arg13 : memref<64xi32, #tpu.memory_space<vmem>>) target_semaphore(%arg26 : memref<!tpu.dma_semaphore, #tpu.memory_space<semaphore_mem>>)
    %scan3A = arith.constant 0 : i32
    %scan3A_32 = arith.constant 0 : i32
    %scan3A_33 = arith.constant 64 : i32
    %scan3A_34 = arith.addi %scan3A_32, %scan3A_33 : i32
    %scan3A_35 = arith.constant 1 : i32
    scf.for %scan3A_287 = %scan3A_32 to %scan3A_34 step %scan3A_35  : i32 {
      %broadcast_in_dim3A = arith.constant 0.000000e+00 : f32
      %broadcast_in_dim3A_288 = vector.broadcast %broadcast_in_dim3A : f32 to vector<16xf32>
      %swap3A = arith.index_cast %scan3A_287 : i32 to index
      %swap3A_289 = arith.constant 0 : index
      %swap3A_290 = tpu.vector_load %arg14[%swap3A, %swap3A_289] {strides = array<i32>} : memref<64x144xf32, #tpu.memory_space<vmem>>, vector<1x16xf32>,
      %swap3A_291 = vector.shape_cast %swap3A_290 : vector<1x16xf32> to vector<16xf32>
      %swap3A_292 = vector.shape_cast %broadcast_in_dim3A_288 : vector<16xf32> to vector<1x16xf32>
      tpu.vector_store %arg14[%swap3A, %swap3A_289], %swap3A_292 {strides = array<i32>} : memref<64x144xf32, #tpu.memory_space<vmem>>, vector<1x16xf32>,
      %broadcast_in_dim3A_293 = arith.constant 0.000000e+00 : f32
      %broadcast_in_dim3A_294 = vector.broadcast %broadcast_in_dim3A_293 : f32 to vector<16xf32>
      %swap3A_295 = arith.index_cast %scan3A_287 : i32 to index
      %swap3A_296 = arith.constant 16 : index
      %swap3A_297 = tpu.vector_load %arg14[%swap3A_295, %swap3A_296] {strides = array<i32>} : memref<64x144xf32, #tpu.memory_space<vmem>>, vector<1x16xf32>,
      %swap3A_298 = vector.shape_cast %swap3A_297 : vector<1x16xf32> to vector<16xf32>
      %swap3A_299 = vector.shape_cast %broadcast_in_dim3A_294 : vector<16xf32> to vector<1x16xf32>
      tpu.vector_store %arg14[%swap3A_295, %swap3A_296], %swap3A_299 {strides = array<i32>} : memref<64x144xf32, #tpu.memory_space<vmem>>, vector<1x16xf32>,
      %broadcast_in_dim3A_300 = arith.constant 0.000000e+00 : f32
      %broadcast_in_dim3A_301 = vector.broadcast %broadcast_in_dim3A_300 : f32 to vector<16xf32>
      %swap3A_302 = arith.index_cast %scan3A_287 : i32 to index
      %swap3A_303 = arith.constant 32 : index
      %swap3A_304 = tpu.vector_load %arg14[%swap3A_302, %swap3A_303] {strides = array<i32>} : memref<64x144xf32, #tpu.memory_space<vmem>>, vector<1x16xf32>,
      %swap3A_305 = vector.shape_cast %swap3A_304 : vector<1x16xf32> to vector<16xf32>
      %swap3A_306 = vector.shape_cast %broadcast_in_dim3A_301 : vector<16xf32> to vector<1x16xf32>
      tpu.vector_store %arg14[%swap3A_302, %swap3A_303], %swap3A_306 {strides = array<i32>} : memref<64x144xf32, #tpu.memory_space<vmem>>, vector<1x16xf32>,
      %broadcast_in_dim3A_307 = arith.constant 0.000000e+00 : f32
      %broadcast_in_dim3A_308 = vector.broadcast %broadcast_in_dim3A_307 : f32 to vector<16xf32>
      %swap3A_309 = arith.index_cast %scan3A_287 : i32 to index
      %swap3A_310 = arith.constant 48 : index
      %swap3A_311 = tpu.vector_load %arg14[%swap3A_309, %swap3A_310] {strides = array<i32>} : memref<64x144xf32, #tpu.memory_space<vmem>>, vector<1x16xf32>,
      %swap3A_312 = vector.shape_cast %swap3A_311 : vector<1x16xf32> to vector<16xf32>
      %swap3A_313 = vector.shape_cast %broadcast_in_dim3A_308 : vector<16xf32> to vector<1x16xf32>
      tpu.vector_store %arg14[%swap3A_309, %swap3A_310], %swap3A_313 {strides = array<i32>} : memref<64x144xf32, #tpu.memory_space<vmem>>, vector<1x16xf32>,
      %broadcast_in_dim3A_314 = arith.constant 0.000000e+00 : f32
      %broadcast_in_dim3A_315 = vector.broadcast %broadcast_in_dim3A_314 : f32 to vector<16xf32>
      %swap3A_316 = arith.index_cast %scan3A_287 : i32 to index
      %swap3A_317 = arith.constant 64 : index
      %swap3A_318 = tpu.vector_load %arg14[%swap3A_316, %swap3A_317] {strides = array<i32>} : memref<64x144xf32, #tpu.memory_space<vmem>>, vector<1x16xf32>,
      %swap3A_319 = vector.shape_cast %swap3A_318 : vector<1x16xf32> to vector<16xf32>
      %swap3A_320 = vector.shape_cast %broadcast_in_dim3A_315 : vector<16xf32> to vector<1x16xf32>
      tpu.vector_store %arg14[%swap3A_316, %swap3A_317], %swap3A_320 {strides = array<i32>} : memref<64x144xf32, #tpu.memory_space<vmem>>, vector<1x16xf32>,
      %broadcast_in_dim3A_321 = arith.constant 0.000000e+00 : f32
      %broadcast_in_dim3A_322 = vector.broadcast %broadcast_in_dim3A_321 : f32 to vector<16xf32>
      %swap3A_323 = arith.index_cast %scan3A_287 : i32 to index
      %swap3A_324 = arith.constant 80 : index
      %swap3A_325 = tpu.vector_load %arg14[%swap3A_323, %swap3A_324] {strides = array<i32>} : memref<64x144xf32, #tpu.memory_space<vmem>>, vector<1x16xf32>,
      %swap3A_326 = vector.shape_cast %swap3A_325 : vector<1x16xf32> to vector<16xf32>
      %swap3A_327 = vector.shape_cast %broadcast_in_dim3A_322 : vector<16xf32> to vector<1x16xf32>
      tpu.vector_store %arg14[%swap3A_323, %swap3A_324], %swap3A_327 {strides = array<i32>} : memref<64x144xf32, #tpu.memory_space<vmem>>, vector<1x16xf32>,
      %broadcast_in_dim3A_328 = arith.constant 0.000000e+00 : f32
      %broadcast_in_dim3A_329 = vector.broadcast %broadcast_in_dim3A_328 : f32 to vector<16xf32>
      %swap3A_330 = arith.index_cast %scan3A_287 : i32 to index
      %swap3A_331 = arith.constant 96 : index
      %swap3A_332 = tpu.vector_load %arg14[%swap3A_330, %swap3A_331] {strides = array<i32>} : memref<64x144xf32, #tpu.memory_space<vmem>>, vector<1x16xf32>,
      %swap3A_333 = vector.shape_cast %swap3A_332 : vector<1x16xf32> to vector<16xf32>
      %swap3A_334 = vector.shape_cast %broadcast_in_dim3A_329 : vector<16xf32> to vector<1x16xf32>
      tpu.vector_store %arg14[%swap3A_330, %swap3A_331], %swap3A_334 {strides = array<i32>} : memref<64x144xf32, #tpu.memory_space<vmem>>, vector<1x16xf32>,
      %broadcast_in_dim3A_335 = arith.constant 0.000000e+00 : f32
      %broadcast_in_dim3A_336 = vector.broadcast %broadcast_in_dim3A_335 : f32 to vector<16xf32>
      %swap3A_337 = arith.index_cast %scan3A_287 : i32 to index
      %swap3A_338 = arith.constant 112 : index
      %swap3A_339 = tpu.vector_load %arg14[%swap3A_337, %swap3A_338] {strides = array<i32>} : memref<64x144xf32, #tpu.memory_space<vmem>>, vector<1x16xf32>,
      %swap3A_340 = vector.shape_cast %swap3A_339 : vector<1x16xf32> to vector<16xf32>
      %swap3A_341 = vector.shape_cast %broadcast_in_dim3A_336 : vector<16xf32> to vector<1x16xf32>
      tpu.vector_store %arg14[%swap3A_337, %swap3A_338], %swap3A_341 {strides = array<i32>} : memref<64x144xf32, #tpu.memory_space<vmem>>, vector<1x16xf32>,
      %broadcast_in_dim3A_342 = arith.constant 0.000000e+00 : f32
      %broadcast_in_dim3A_343 = vector.broadcast %broadcast_in_dim3A_342 : f32 to vector<16xf32>
      %swap3A_344 = arith.index_cast %scan3A_287 : i32 to index
      %swap3A_345 = arith.constant 128 : index
      %swap3A_346 = tpu.vector_load %arg14[%swap3A_344, %swap3A_345] {strides = array<i32>} : memref<64x144xf32, #tpu.memory_space<vmem>>, vector<1x16xf32>,
      %swap3A_347 = vector.shape_cast %swap3A_346 : vector<1x16xf32> to vector<16xf32>
      %swap3A_348 = vector.shape_cast %broadcast_in_dim3A_343 : vector<16xf32> to vector<1x16xf32>
      tpu.vector_store %arg14[%swap3A_344, %swap3A_345], %swap3A_348 {strides = array<i32>} : memref<64x144xf32, #tpu.memory_space<vmem>>, vector<1x16xf32>,
    }
    %scan3A_36 = arith.constant 64 : i32
    %mul3A_37 = arith.constant 640 : i32
    %mul3A_38 = arith.muli %arg1, %mul3A_37 : i32
    %add3A_39 = arith.constant 0 : i32
    %add3A_40 = arith.addi %mul3A_38, %add3A_39 : i32
    %dma_start3A_41 = arith.constant 0 : i32
    %dma_start3A_42 = tpu.memref_slice %arg18[%add3A_40, %dma_start3A_41] : memref<10240x144xf32, #tpu.memory_space<vmem_shared>> -> memref<64x144xf32, #tpu.memory_space<vmem_shared>>
    %dma_start3A_43 = arith.constant 0 : i32
    %dma_start3A_44 = tpu.memref_slice %arg18[%add3A_40, %dma_start3A_43] : memref<10240x144xf32, #tpu.memory_space<vmem_shared>> -> memref<64x144xf32, #tpu.memory_space<vmem_shared>>
    tpu.enqueue_dma source(%arg14 : memref<64x144xf32, #tpu.memory_space<vmem>>) target(%dma_start3A_44 : memref<64x144xf32, #tpu.memory_space<vmem_shared>>) target_semaphore(%arg31 : memref<!tpu.dma_semaphore, #tpu.memory_space<semaphore_mem>>)
    %mul3A_45 = arith.constant 640 : i32
    %mul3A_46 = arith.muli %arg1, %mul3A_45 : i32
    %add3A_47 = arith.constant 64 : i32
    %add3A_48 = arith.addi %mul3A_46, %add3A_47 : i32
    %dma_start3A_49 = arith.constant 0 : i32
    %dma_start3A_50 = tpu.memref_slice %arg18[%add3A_48, %dma_start3A_49] : memref<10240x144xf32, #tpu.memory_space<vmem_shared>> -> memref<64x144xf32, #tpu.memory_space<vmem_shared>>
    %dma_start3A_51 = arith.constant 0 : i32
    %dma_start3A_52 = tpu.memref_slice %arg18[%add3A_48, %dma_start3A_51] : memref<10240x144xf32, #tpu.memory_space<vmem_shared>> -> memref<64x144xf32, #tpu.memory_space<vmem_shared>>
    tpu.enqueue_dma source(%arg14 : memref<64x144xf32, #tpu.memory_space<vmem>>) target(%dma_start3A_52 : memref<64x144xf32, #tpu.memory_space<vmem_shared>>) target_semaphore(%arg32 : memref<!tpu.dma_semaphore, #tpu.memory_space<semaphore_mem>>)
    %mul3A_53 = arith.constant 640 : i32
    %mul3A_54 = arith.muli %arg1, %mul3A_53 : i32
    %add3A_55 = arith.constant 128 : i32
    %add3A_56 = arith.addi %mul3A_54, %add3A_55 : i32
    %dma_start3A_57 = arith.constant 0 : i32
    %dma_start3A_58 = tpu.memref_slice %arg18[%add3A_56, %dma_start3A_57] : memref<10240x144xf32, #tpu.memory_space<vmem_shared>> -> memref<64x144xf32, #tpu.memory_space<vmem_shared>>
    %dma_start3A_59 = arith.constant 0 : i32
    %dma_start3A_60 = tpu.memref_slice %arg18[%add3A_56, %dma_start3A_59] : memref<10240x144xf32, #tpu.memory_space<vmem_shared>> -> memref<64x144xf32, #tpu.memory_space<vmem_shared>>
    tpu.enqueue_dma source(%arg14 : memref<64x144xf32, #tpu.memory_space<vmem>>) target(%dma_start3A_60 : memref<64x144xf32, #tpu.memory_space<vmem_shared>>) target_semaphore(%arg33 : memref<!tpu.dma_semaphore, #tpu.memory_space<semaphore_mem>>)
    %mul3A_61 = arith.constant 640 : i32
    %mul3A_62 = arith.muli %arg1, %mul3A_61 : i32
    %add3A_63 = arith.constant 192 : i32
    %add3A_64 = arith.addi %mul3A_62, %add3A_63 : i32
    %dma_start3A_65 = arith.constant 0 : i32
    %dma_start3A_66 = tpu.memref_slice %arg18[%add3A_64, %dma_start3A_65] : memref<10240x144xf32, #tpu.memory_space<vmem_shared>> -> memref<64x144xf32, #tpu.memory_space<vmem_shared>>
    %dma_start3A_67 = arith.constant 0 : i32
    %dma_start3A_68 = tpu.memref_slice %arg18[%add3A_64, %dma_start3A_67] : memref<10240x144xf32, #tpu.memory_space<vmem_shared>> -> memref<64x144xf32, #tpu.memory_space<vmem_shared>>
    tpu.enqueue_dma source(%arg14 : memref<64x144xf32, #tpu.memory_space<vmem>>) target(%dma_start3A_68 : memref<64x144xf32, #tpu.memory_space<vmem_shared>>) target_semaphore(%arg34 : memref<!tpu.dma_semaphore, #tpu.memory_space<semaphore_mem>>)
    %mul3A_69 = arith.constant 640 : i32
    %mul3A_70 = arith.muli %arg1, %mul3A_69 : i32
    %add3A_71 = arith.constant 256 : i32
    %add3A_72 = arith.addi %mul3A_70, %add3A_71 : i32
    %dma_start3A_73 = arith.constant 0 : i32
    %dma_start3A_74 = tpu.memref_slice %arg18[%add3A_72, %dma_start3A_73] : memref<10240x144xf32, #tpu.memory_space<vmem_shared>> -> memref<64x144xf32, #tpu.memory_space<vmem_shared>>
    %dma_start3A_75 = arith.constant 0 : i32
    %dma_start3A_76 = tpu.memref_slice %arg18[%add3A_72, %dma_start3A_75] : memref<10240x144xf32, #tpu.memory_space<vmem_shared>> -> memref<64x144xf32, #tpu.memory_space<vmem_shared>>
    tpu.enqueue_dma source(%arg14 : memref<64x144xf32, #tpu.memory_space<vmem>>) target(%dma_start3A_76 : memref<64x144xf32, #tpu.memory_space<vmem_shared>>) target_semaphore(%arg31 : memref<!tpu.dma_semaphore, #tpu.memory_space<semaphore_mem>>)
    %mul3A_77 = arith.constant 640 : i32
    %mul3A_78 = arith.muli %arg1, %mul3A_77 : i32
    %add3A_79 = arith.constant 320 : i32
    %add3A_80 = arith.addi %mul3A_78, %add3A_79 : i32
    %dma_start3A_81 = arith.constant 0 : i32
    %dma_start3A_82 = tpu.memref_slice %arg18[%add3A_80, %dma_start3A_81] : memref<10240x144xf32, #tpu.memory_space<vmem_shared>> -> memref<64x144xf32, #tpu.memory_space<vmem_shared>>
    %dma_start3A_83 = arith.constant 0 : i32
    %dma_start3A_84 = tpu.memref_slice %arg18[%add3A_80, %dma_start3A_83] : memref<10240x144xf32, #tpu.memory_space<vmem_shared>> -> memref<64x144xf32, #tpu.memory_space<vmem_shared>>
    tpu.enqueue_dma source(%arg14 : memref<64x144xf32, #tpu.memory_space<vmem>>) target(%dma_start3A_84 : memref<64x144xf32, #tpu.memory_space<vmem_shared>>) target_semaphore(%arg32 : memref<!tpu.dma_semaphore, #tpu.memory_space<semaphore_mem>>)
    %mul3A_85 = arith.constant 640 : i32
    %mul3A_86 = arith.muli %arg1, %mul3A_85 : i32
    %add3A_87 = arith.constant 384 : i32
    %add3A_88 = arith.addi %mul3A_86, %add3A_87 : i32
    %dma_start3A_89 = arith.constant 0 : i32
    %dma_start3A_90 = tpu.memref_slice %arg18[%add3A_88, %dma_start3A_89] : memref<10240x144xf32, #tpu.memory_space<vmem_shared>> -> memref<64x144xf32, #tpu.memory_space<vmem_shared>>
    %dma_start3A_91 = arith.constant 0 : i32
    %dma_start3A_92 = tpu.memref_slice %arg18[%add3A_88, %dma_start3A_91] : memref<10240x144xf32, #tpu.memory_space<vmem_shared>> -> memref<64x144xf32, #tpu.memory_space<vmem_shared>>
    tpu.enqueue_dma source(%arg14 : memref<64x144xf32, #tpu.memory_space<vmem>>) target(%dma_start3A_92 : memref<64x144xf32, #tpu.memory_space<vmem_shared>>) target_semaphore(%arg33 : memref<!tpu.dma_semaphore, #tpu.memory_space<semaphore_mem>>)
    %mul3A_93 = arith.constant 640 : i32
    %mul3A_94 = arith.muli %arg1, %mul3A_93 : i32
    %add3A_95 = arith.constant 448 : i32
    %add3A_96 = arith.addi %mul3A_94, %add3A_95 : i32
    %dma_start3A_97 = arith.constant 0 : i32
    %dma_start3A_98 = tpu.memref_slice %arg18[%add3A_96, %dma_start3A_97] : memref<10240x144xf32, #tpu.memory_space<vmem_shared>> -> memref<64x144xf32, #tpu.memory_space<vmem_shared>>
    %dma_start3A_99 = arith.constant 0 : i32
    %dma_start3A_100 = tpu.memref_slice %arg18[%add3A_96, %dma_start3A_99] : memref<10240x144xf32, #tpu.memory_space<vmem_shared>> -> memref<64x144xf32, #tpu.memory_space<vmem_shared>>
    tpu.enqueue_dma source(%arg14 : memref<64x144xf32, #tpu.memory_space<vmem>>) target(%dma_start3A_100 : memref<64x144xf32, #tpu.memory_space<vmem_shared>>) target_semaphore(%arg34 : memref<!tpu.dma_semaphore, #tpu.memory_space<semaphore_mem>>)
    %mul3A_101 = arith.constant 640 : i32
    %mul3A_102 = arith.muli %arg1, %mul3A_101 : i32
    %add3A_103 = arith.constant 512 : i32
    %add3A_104 = arith.addi %mul3A_102, %add3A_103 : i32
    %dma_start3A_105 = arith.constant 0 : i32
    %dma_start3A_106 = tpu.memref_slice %arg18[%add3A_104, %dma_start3A_105] : memref<10240x144xf32, #tpu.memory_space<vmem_shared>> -> memref<64x144xf32, #tpu.memory_space<vmem_shared>>
    %dma_start3A_107 = arith.constant 0 : i32
    %dma_start3A_108 = tpu.memref_slice %arg18[%add3A_104, %dma_start3A_107] : memref<10240x144xf32, #tpu.memory_space<vmem_shared>> -> memref<64x144xf32, #tpu.memory_space<vmem_shared>>
    tpu.enqueue_dma source(%arg14 : memref<64x144xf32, #tpu.memory_space<vmem>>) target(%dma_start3A_108 : memref<64x144xf32, #tpu.memory_space<vmem_shared>>) target_semaphore(%arg31 : memref<!tpu.dma_semaphore, #tpu.memory_space<semaphore_mem>>)
    %mul3A_109 = arith.constant 640 : i32
    %mul3A_110 = arith.muli %arg1, %mul3A_109 : i32
    %add3A_111 = arith.constant 576 : i32
    %add3A_112 = arith.addi %mul3A_110, %add3A_111 : i32
    %dma_start3A_113 = arith.constant 0 : i32
    %dma_start3A_114 = tpu.memref_slice %arg18[%add3A_112, %dma_start3A_113] : memref<10240x144xf32, #tpu.memory_space<vmem_shared>> -> memref<64x144xf32, #tpu.memory_space<vmem_shared>>
    %dma_start3A_115 = arith.constant 0 : i32
    %dma_start3A_116 = tpu.memref_slice %arg18[%add3A_112, %dma_start3A_115] : memref<10240x144xf32, #tpu.memory_space<vmem_shared>> -> memref<64x144xf32, #tpu.memory_space<vmem_shared>>
    tpu.enqueue_dma source(%arg14 : memref<64x144xf32, #tpu.memory_space<vmem>>) target(%dma_start3A_116 : memref<64x144xf32, #tpu.memory_space<vmem_shared>>) target_semaphore(%arg32 : memref<!tpu.dma_semaphore, #tpu.memory_space<semaphore_mem>>)
    %mul3A_117 = arith.constant 640 : i32
    %mul3A_118 = arith.muli %arg1, %mul3A_117 : i32
    %add3A_119 = arith.constant 0 : i32
    %add3A_120 = arith.addi %mul3A_118, %add3A_119 : i32
    %dma_wait3A = arith.constant 0 : i32
    %dma_wait3A_121 = tpu.memref_slice %arg18[%add3A_120, %dma_wait3A] : memref<10240x144xf32, #tpu.memory_space<vmem_shared>> -> memref<64x144xf32, #tpu.memory_space<vmem_shared>>
    %dma_wait3A_122 = arith.constant 0 : i32
    %dma_wait3A_123 = tpu.memref_slice %arg18[%add3A_120, %dma_wait3A_122] : memref<10240x144xf32, #tpu.memory_space<vmem_shared>> -> memref<64x144xf32, #tpu.memory_space<vmem_shared>>
    tpu.wait_dma2 semaphore(%arg31 : memref<!tpu.dma_semaphore, #tpu.memory_space<semaphore_mem>>) src(%arg14 : memref<64x144xf32, #tpu.memory_space<vmem>>) dst(%dma_wait3A_123 : memref<64x144xf32, #tpu.memory_space<vmem_shared>>)
    %mul3A_124 = arith.constant 640 : i32
    %mul3A_125 = arith.muli %arg1, %mul3A_124 : i32
    %add3A_126 = arith.constant 64 : i32
    %add3A_127 = arith.addi %mul3A_125, %add3A_126 : i32
    %dma_wait3A_128 = arith.constant 0 : i32
    %dma_wait3A_129 = tpu.memref_slice %arg18[%add3A_127, %dma_wait3A_128] : memref<10240x144xf32, #tpu.memory_space<vmem_shared>> -> memref<64x144xf32, #tpu.memory_space<vmem_shared>>
    %dma_wait3A_130 = arith.constant 0 : i32
    %dma_wait3A_131 = tpu.memref_slice %arg18[%add3A_127, %dma_wait3A_130] : memref<10240x144xf32, #tpu.memory_space<vmem_shared>> -> memref<64x144xf32, #tpu.memory_space<vmem_shared>>
    tpu.wait_dma2 semaphore(%arg32 : memref<!tpu.dma_semaphore, #tpu.memory_space<semaphore_mem>>) src(%arg14 : memref<64x144xf32, #tpu.memory_space<vmem>>) dst(%dma_wait3A_131 : memref<64x144xf32, #tpu.memory_space<vmem_shared>>)
    %mul3A_132 = arith.constant 640 : i32
    %mul3A_133 = arith.muli %arg1, %mul3A_132 : i32
    %add3A_134 = arith.constant 128 : i32
    %add3A_135 = arith.addi %mul3A_133, %add3A_134 : i32
    %dma_wait3A_136 = arith.constant 0 : i32
    %dma_wait3A_137 = tpu.memref_slice %arg18[%add3A_135, %dma_wait3A_136] : memref<10240x144xf32, #tpu.memory_space<vmem_shared>> -> memref<64x144xf32, #tpu.memory_space<vmem_shared>>
    %dma_wait3A_138 = arith.constant 0 : i32
    %dma_wait3A_139 = tpu.memref_slice %arg18[%add3A_135, %dma_wait3A_138] : memref<10240x144xf32, #tpu.memory_space<vmem_shared>> -> memref<64x144xf32, #tpu.memory_space<vmem_shared>>
    tpu.wait_dma2 semaphore(%arg33 : memref<!tpu.dma_semaphore, #tpu.memory_space<semaphore_mem>>) src(%arg14 : memref<64x144xf32, #tpu.memory_space<vmem>>) dst(%dma_wait3A_139 : memref<64x144xf32, #tpu.memory_space<vmem_shared>>)
    %mul3A_140 = arith.constant 640 : i32
    %mul3A_141 = arith.muli %arg1, %mul3A_140 : i32
    %add3A_142 = arith.constant 192 : i32
    %add3A_143 = arith.addi %mul3A_141, %add3A_142 : i32
    %dma_wait3A_144 = arith.constant 0 : i32
    %dma_wait3A_145 = tpu.memref_slice %arg18[%add3A_143, %dma_wait3A_144] : memref<10240x144xf32, #tpu.memory_space<vmem_shared>> -> memref<64x144xf32, #tpu.memory_space<vmem_shared>>
    %dma_wait3A_146 = arith.constant 0 : i32
    %dma_wait3A_147 = tpu.memref_slice %arg18[%add3A_143, %dma_wait3A_146] : memref<10240x144xf32, #tpu.memory_space<vmem_shared>> -> memref<64x144xf32, #tpu.memory_space<vmem_shared>>
    tpu.wait_dma2 semaphore(%arg34 : memref<!tpu.dma_semaphore, #tpu.memory_space<semaphore_mem>>) src(%arg14 : memref<64x144xf32, #tpu.memory_space<vmem>>) dst(%dma_wait3A_147 : memref<64x144xf32, #tpu.memory_space<vmem_shared>>)
    %mul3A_148 = arith.constant 640 : i32
    %mul3A_149 = arith.muli %arg1, %mul3A_148 : i32
    %add3A_150 = arith.constant 256 : i32
    %add3A_151 = arith.addi %mul3A_149, %add3A_150 : i32
    %dma_wait3A_152 = arith.constant 0 : i32
    %dma_wait3A_153 = tpu.memref_slice %arg18[%add3A_151, %dma_wait3A_152] : memref<10240x144xf32, #tpu.memory_space<vmem_shared>> -> memref<64x144xf32, #tpu.memory_space<vmem_shared>>
    %dma_wait3A_154 = arith.constant 0 : i32
    %dma_wait3A_155 = tpu.memref_slice %arg18[%add3A_151, %dma_wait3A_154] : memref<10240x144xf32, #tpu.memory_space<vmem_shared>> -> memref<64x144xf32, #tpu.memory_space<vmem_shared>>
    tpu.wait_dma2 semaphore(%arg31 : memref<!tpu.dma_semaphore, #tpu.memory_space<semaphore_mem>>) src(%arg14 : memref<64x144xf32, #tpu.memory_space<vmem>>) dst(%dma_wait3A_155 : memref<64x144xf32, #tpu.memory_space<vmem_shared>>)
    %mul3A_156 = arith.constant 640 : i32
    %mul3A_157 = arith.muli %arg1, %mul3A_156 : i32
    %add3A_158 = arith.constant 320 : i32
    %add3A_159 = arith.addi %mul3A_157, %add3A_158 : i32
    %dma_wait3A_160 = arith.constant 0 : i32
    %dma_wait3A_161 = tpu.memref_slice %arg18[%add3A_159, %dma_wait3A_160] : memref<10240x144xf32, #tpu.memory_space<vmem_shared>> -> memref<64x144xf32, #tpu.memory_space<vmem_shared>>
    %dma_wait3A_162 = arith.constant 0 : i32
    %dma_wait3A_163 = tpu.memref_slice %arg18[%add3A_159, %dma_wait3A_162] : memref<10240x144xf32, #tpu.memory_space<vmem_shared>> -> memref<64x144xf32, #tpu.memory_space<vmem_shared>>
    tpu.wait_dma2 semaphore(%arg32 : memref<!tpu.dma_semaphore, #tpu.memory_space<semaphore_mem>>) src(%arg14 : memref<64x144xf32, #tpu.memory_space<vmem>>) dst(%dma_wait3A_163 : memref<64x144xf32, #tpu.memory_space<vmem_shared>>)
    %mul3A_164 = arith.constant 640 : i32
    %mul3A_165 = arith.muli %arg1, %mul3A_164 : i32
    %add3A_166 = arith.constant 384 : i32
    %add3A_167 = arith.addi %mul3A_165, %add3A_166 : i32
    %dma_wait3A_168 = arith.constant 0 : i32
    %dma_wait3A_169 = tpu.memref_slice %arg18[%add3A_167, %dma_wait3A_168] : memref<10240x144xf32, #tpu.memory_space<vmem_shared>> -> memref<64x144xf32, #tpu.memory_space<vmem_shared>>
    %dma_wait3A_170 = arith.constant 0 : i32
    %dma_wait3A_171 = tpu.memref_slice %arg18[%add3A_167, %dma_wait3A_170] : memref<10240x144xf32, #tpu.memory_space<vmem_shared>> -> memref<64x144xf32, #tpu.memory_space<vmem_shared>>
    tpu.wait_dma2 semaphore(%arg33 : memref<!tpu.dma_semaphore, #tpu.memory_space<semaphore_mem>>) src(%arg14 : memref<64x144xf32, #tpu.memory_space<vmem>>) dst(%dma_wait3A_171 : memref<64x144xf32, #tpu.memory_space<vmem_shared>>)
    %mul3A_172 = arith.constant 640 : i32
    %mul3A_173 = arith.muli %arg1, %mul3A_172 : i32
    %add3A_174 = arith.constant 448 : i32
    %add3A_175 = arith.addi %mul3A_173, %add3A_174 : i32
    %dma_wait3A_176 = arith.constant 0 : i32
    %dma_wait3A_177 = tpu.memref_slice %arg18[%add3A_175, %dma_wait3A_176] : memref<10240x144xf32, #tpu.memory_space<vmem_shared>> -> memref<64x144xf32, #tpu.memory_space<vmem_shared>>
    %dma_wait3A_178 = arith.constant 0 : i32
    %dma_wait3A_179 = tpu.memref_slice %arg18[%add3A_175, %dma_wait3A_178] : memref<10240x144xf32, #tpu.memory_space<vmem_shared>> -> memref<64x144xf32, #tpu.memory_space<vmem_shared>>
    tpu.wait_dma2 semaphore(%arg34 : memref<!tpu.dma_semaphore, #tpu.memory_space<semaphore_mem>>) src(%arg14 : memref<64x144xf32, #tpu.memory_space<vmem>>) dst(%dma_wait3A_179 : memref<64x144xf32, #tpu.memory_space<vmem_shared>>)
    %mul3A_180 = arith.constant 640 : i32
    %mul3A_181 = arith.muli %arg1, %mul3A_180 : i32
    %add3A_182 = arith.constant 512 : i32
    %add3A_183 = arith.addi %mul3A_181, %add3A_182 : i32
    %dma_wait3A_184 = arith.constant 0 : i32
    %dma_wait3A_185 = tpu.memref_slice %arg18[%add3A_183, %dma_wait3A_184] : memref<10240x144xf32, #tpu.memory_space<vmem_shared>> -> memref<64x144xf32, #tpu.memory_space<vmem_shared>>
    %dma_wait3A_186 = arith.constant 0 : i32
    %dma_wait3A_187 = tpu.memref_slice %arg18[%add3A_183, %dma_wait3A_186] : memref<10240x144xf32, #tpu.memory_space<vmem_shared>> -> memref<64x144xf32, #tpu.memory_space<vmem_shared>>
    tpu.wait_dma2 semaphore(%arg31 : memref<!tpu.dma_semaphore, #tpu.memory_space<semaphore_mem>>) src(%arg14 : memref<64x144xf32, #tpu.memory_space<vmem>>) dst(%dma_wait3A_187 : memref<64x144xf32, #tpu.memory_space<vmem_shared>>)
    %mul3A_188 = arith.constant 640 : i32
    %mul3A_189 = arith.muli %arg1, %mul3A_188 : i32
    %add3A_190 = arith.constant 576 : i32
    %add3A_191 = arith.addi %mul3A_189, %add3A_190 : i32
    %dma_wait3A_192 = arith.constant 0 : i32
    %dma_wait3A_193 = tpu.memref_slice %arg18[%add3A_191, %dma_wait3A_192] : memref<10240x144xf32, #tpu.memory_space<vmem_shared>> -> memref<64x144xf32, #tpu.memory_space<vmem_shared>>
    %dma_wait3A_194 = arith.constant 0 : i32
    %dma_wait3A_195 = tpu.memref_slice %arg18[%add3A_191, %dma_wait3A_194] : memref<10240x144xf32, #tpu.memory_space<vmem_shared>> -> memref<64x144xf32, #tpu.memory_space<vmem_shared>>
    tpu.wait_dma2 semaphore(%arg32 : memref<!tpu.dma_semaphore, #tpu.memory_space<semaphore_mem>>) src(%arg14 : memref<64x144xf32, #tpu.memory_space<vmem>>) dst(%dma_wait3A_195 : memref<64x144xf32, #tpu.memory_space<vmem_shared>>)
    %barrier3A = arith.constant 0 : index
    tpu.barrier barrier_id(%barrier3A)
    %mul3A_196 = arith.constant 20224 : i32
    %mul3A_197 = arith.muli %add3A, %mul3A_196 : i32
    %add3A_198 = arith.constant 0 : i32
    %add3A_199 = arith.addi %mul3A_197, %add3A_198 : i32
    %dma_wait3A_200 = tpu.memref_slice %arg3[%add3A_199] : memref<647168xi32, #tpu.memory_space<hbm>> -> memref<64xi32, #tpu.memory_space<hbm>>
    %dma_wait3A_201 = tpu.memref_slice %arg3[%add3A_199] : memref<647168xi32, #tpu.memory_space<hbm>> -> memref<64xi32, #tpu.memory_space<hbm>>
    tpu.wait_dma2 semaphore(%arg19 : memref<!tpu.dma_semaphore, #tpu.memory_space<semaphore_mem>>) src(%dma_wait3A_201 : memref<64xi32, #tpu.memory_space<hbm>>) dst(%arg6 : memref<64xi32, #tpu.memory_space<vmem>>)
    %dma_wait3A_202 = tpu.memref_slice %arg4[%add3A_199] : memref<647168xi32, #tpu.memory_space<hbm>> -> memref<64xi32, #tpu.memory_space<hbm>>
    %dma_wait3A_203 = tpu.memref_slice %arg4[%add3A_199] : memref<647168xi32, #tpu.memory_space<hbm>> -> memref<64xi32, #tpu.memory_space<hbm>>
    tpu.wait_dma2 semaphore(%arg23 : memref<!tpu.dma_semaphore, #tpu.memory_space<semaphore_mem>>) src(%dma_wait3A_203 : memref<64xi32, #tpu.memory_space<hbm>>) dst(%arg10 : memref<64xi32, #tpu.memory_space<vmem>>)
    %dma_start3A_204 = arith.constant 0 : i32
    %dma_start3A_205 = arith.constant 0 : i32
    %dma_start3A_206 = tpu.memref_slice %arg2[%dma_start3A_204, %dma_start3A_205] : memref<10240x144xf32, #tpu.memory_space<hbm>> -> memref<10240x144xf32, #tpu.memory_space<hbm>>
    tpu.enqueue_indirect_dma source(%dma_start3A_206 : memref<10240x144xf32, #tpu.memory_space<hbm>>) target(%arg14 : memref<64x144xf32, #tpu.memory_space<vmem>>) offsets(%arg6 : memref<64xi32, #tpu.memory_space<vmem>>) semaphore(%arg27 : memref<!tpu.dma_semaphore, #tpu.memory_space<semaphore_mem>>)
    %mul3A_207 = arith.constant 20224 : i32
    %mul3A_208 = arith.muli %add3A, %mul3A_207 : i32
    %add3A_209 = arith.constant 64 : i32
    %add3A_210 = arith.addi %mul3A_208, %add3A_209 : i32
    %dma_wait3A_211 = tpu.memref_slice %arg3[%add3A_210] : memref<647168xi32, #tpu.memory_space<hbm>> -> memref<64xi32, #tpu.memory_space<hbm>>
    %dma_wait3A_212 = tpu.memref_slice %arg3[%add3A_210] : memref<647168xi32, #tpu.memory_space<hbm>> -> memref<64xi32, #tpu.memory_space<hbm>>
    tpu.wait_dma2 semaphore(%arg20 : memref<!tpu.dma_semaphore, #tpu.memory_space<semaphore_mem>>) src(%dma_wait3A_212 : memref<64xi32, #tpu.memory_space<hbm>>) dst(%arg7 : memref<64xi32, #tpu.memory_space<vmem>>)
    %dma_wait3A_213 = tpu.memref_slice %arg4[%add3A_210] : memref<647168xi32, #tpu.memory_space<hbm>> -> memref<64xi32, #tpu.memory_space<hbm>>
    %dma_wait3A_214 = tpu.memref_slice %arg4[%add3A_210] : memref<647168xi32, #tpu.memory_space<hbm>> -> memref<64xi32, #tpu.memory_space<hbm>>
    tpu.wait_dma2 semaphore(%arg24 : memref<!tpu.dma_semaphore, #tpu.memory_space<semaphore_mem>>) src(%dma_wait3A_214 : memref<64xi32, #tpu.memory_space<hbm>>) dst(%arg11 : memref<64xi32, #tpu.memory_space<vmem>>)
    %dma_start3A_215 = arith.constant 0 : i32
    %dma_start3A_216 = arith.constant 0 : i32
    %dma_start3A_217 = tpu.memref_slice %arg2[%dma_start3A_215, %dma_start3A_216] : memref<10240x144xf32, #tpu.memory_space<hbm>> -> memref<10240x144xf32, #tpu.memory_space<hbm>>
    tpu.enqueue_indirect_dma source(%dma_start3A_217 : memref<10240x144xf32, #tpu.memory_space<hbm>>) target(%arg15 : memref<64x144xf32, #tpu.memory_space<vmem>>) offsets(%arg7 : memref<64xi32, #tpu.memory_space<vmem>>) semaphore(%arg28 : memref<!tpu.dma_semaphore, #tpu.memory_space<semaphore_mem>>)
    %mul3A_218 = arith.constant 20224 : i32
    %mul3A_219 = arith.muli %add3A, %mul3A_218 : i32
    %add3A_220 = arith.constant 128 : i32
    %add3A_221 = arith.addi %mul3A_219, %add3A_220 : i32
    %dma_wait3A_222 = tpu.memref_slice %arg3[%add3A_221] : memref<647168xi32, #tpu.memory_space<hbm>> -> memref<64xi32, #tpu.memory_space<hbm>>
    %dma_wait3A_223 = tpu.memref_slice %arg3[%add3A_221] : memref<647168xi32, #tpu.memory_space<hbm>> -> memref<64xi32, #tpu.memory_space<hbm>>
    tpu.wait_dma2 semaphore(%arg21 : memref<!tpu.dma_semaphore, #tpu.memory_space<semaphore_mem>>) src(%dma_wait3A_223 : memref<64xi32, #tpu.memory_space<hbm>>) dst(%arg8 : memref<64xi32, #tpu.memory_space<vmem>>)
    %dma_wait3A_224 = tpu.memref_slice %arg4[%add3A_221] : memref<647168xi32, #tpu.memory_space<hbm>> -> memref<64xi32, #tpu.memory_space<hbm>>
    %dma_wait3A_225 = tpu.memref_slice %arg4[%add3A_221] : memref<647168xi32, #tpu.memory_space<hbm>> -> memref<64xi32, #tpu.memory_space<hbm>>
    tpu.wait_dma2 semaphore(%arg25 : memref<!tpu.dma_semaphore, #tpu.memory_space<semaphore_mem>>) src(%dma_wait3A_225 : memref<64xi32, #tpu.memory_space<hbm>>) dst(%arg12 : memref<64xi32, #tpu.memory_space<vmem>>)
    %dma_start3A_226 = arith.constant 0 : i32
    %dma_start3A_227 = arith.constant 0 : i32
    %dma_start3A_228 = tpu.memref_slice %arg2[%dma_start3A_226, %dma_start3A_227] : memref<10240x144xf32, #tpu.memory_space<hbm>> -> memref<10240x144xf32, #tpu.memory_space<hbm>>
    tpu.enqueue_indirect_dma source(%dma_start3A_228 : memref<10240x144xf32, #tpu.memory_space<hbm>>) target(%arg16 : memref<64x144xf32, #tpu.memory_space<vmem>>) offsets(%arg8 : memref<64xi32, #tpu.memory_space<vmem>>) semaphore(%arg29 : memref<!tpu.dma_semaphore, #tpu.memory_space<semaphore_mem>>)
    %mul3A_229 = arith.constant 20224 : i32
    %mul3A_230 = arith.muli %add3A, %mul3A_229 : i32
    %add3A_231 = arith.constant 192 : i32
    %add3A_232 = arith.addi %mul3A_230, %add3A_231 : i32
    %dma_wait3A_233 = tpu.memref_slice %arg3[%add3A_232] : memref<647168xi32, #tpu.memory_space<hbm>> -> memref<64xi32, #tpu.memory_space<hbm>>
    %dma_wait3A_234 = tpu.memref_slice %arg3[%add3A_232] : memref<647168xi32, #tpu.memory_space<hbm>> -> memref<64xi32, #tpu.memory_space<hbm>>
    tpu.wait_dma2 semaphore(%arg22 : memref<!tpu.dma_semaphore, #tpu.memory_space<semaphore_mem>>) src(%dma_wait3A_234 : memref<64xi32, #tpu.memory_space<hbm>>) dst(%arg9 : memref<64xi32, #tpu.memory_space<vmem>>)
    %dma_wait3A_235 = tpu.memref_slice %arg4[%add3A_232] : memref<647168xi32, #tpu.memory_space<hbm>> -> memref<64xi32, #tpu.memory_space<hbm>>
    %dma_wait3A_236 = tpu.memref_slice %arg4[%add3A_232] : memref<647168xi32, #tpu.memory_space<hbm>> -> memref<64xi32, #tpu.memory_space<hbm>>
    tpu.wait_dma2 semaphore(%arg26 : memref<!tpu.dma_semaphore, #tpu.memory_space<semaphore_mem>>) src(%dma_wait3A_236 : memref<64xi32, #tpu.memory_space<hbm>>) dst(%arg13 : memref<64xi32, #tpu.memory_space<vmem>>)
    %dma_start3A_237 = arith.constant 0 : i32
    %dma_start3A_238 = arith.constant 0 : i32
    %dma_start3A_239 = tpu.memref_slice %arg2[%dma_start3A_237, %dma_start3A_238] : memref<10240x144xf32, #tpu.memory_space<hbm>> -> memref<10240x144xf32, #tpu.memory_space<hbm>>
    tpu.enqueue_indirect_dma source(%dma_start3A_239 : memref<10240x144xf32, #tpu.memory_space<hbm>>) target(%arg17 : memref<64x144xf32, #tpu.memory_space<vmem>>) offsets(%arg9 : memref<64xi32, #tpu.memory_space<vmem>>) semaphore(%arg30 : memref<!tpu.dma_semaphore, #tpu.memory_space<semaphore_mem>>)
    %scan3A_240 = arith.constant 0 : i32
    %scan3A_241 = arith.constant 0 : i32
    %scan3A_242 = arith.constant 78 : i32
    %scan3A_243 = arith.addi %scan3A_241, %scan3A_242 : i32
    %scan3A_244 = arith.constant 1 : i32
    scf.for %scan3A_287 = %scan3A_241 to %scan3A_243 step %scan3A_244  : i32 {
      %mul3A_288 = arith.constant 4 : i32
      %mul3A_289 = arith.muli %mul3A_288, %scan3A_287 : i32
      %dma_wait3A_290 = arith.constant 0 : i32
      %dma_wait3A_291 = arith.constant 0 : i32
      %dma_wait3A_292 = tpu.memref_slice %arg2[%dma_wait3A_290, %dma_wait3A_291] : memref<10240x144xf32, #tpu.memory_space<hbm>> -> memref<10240x144xf32, #tpu.memory_space<hbm>>
      tpu.wait_indirect_dma semaphore(%arg27 : memref<!tpu.dma_semaphore, #tpu.memory_space<semaphore_mem>>) src(%dma_wait3A_292 : memref<10240x144xf32, #tpu.memory_space<hbm>>) dst(%arg14 : memref<64x144xf32, #tpu.memory_space<vmem>>)
      %add3A_293 = arith.constant 0 : i32
      %add3A_294 = arith.addi %mul3A_289, %add3A_293 : i32
      %add3A_295 = arith.constant 4 : i32
      %add3A_296 = arith.addi %add3A_294, %add3A_295 : i32
      %mul3A_297 = arith.constant 20224 : i32
      %mul3A_298 = arith.muli %add3A, %mul3A_297 : i32
      %mul3A_299 = arith.constant 64 : i32
      %mul3A_300 = arith.muli %add3A_296, %mul3A_299 : i32
      %add3A_301 = arith.addi %mul3A_298, %mul3A_300 : i32
      %dma_start3A_302 = tpu.memref_slice %arg3[%add3A_301] : memref<647168xi32, #tpu.memory_space<hbm>> -> memref<64xi32, #tpu.memory_space<hbm>>
      %dma_start3A_303 = tpu.memref_slice %arg3[%add3A_301] : memref<647168xi32, #tpu.memory_space<hbm>> -> memref<64xi32, #tpu.memory_space<hbm>>
      tpu.enqueue_dma source(%dma_start3A_303 : memref<64xi32, #tpu.memory_space<hbm>>) target(%arg6 : memref<64xi32, #tpu.memory_space<vmem>>) target_semaphore(%arg19 : memref<!tpu.dma_semaphore, #tpu.memory_space<semaphore_mem>>)
      %dma_start3A_304 = tpu.memref_slice %arg4[%add3A_301] : memref<647168xi32, #tpu.memory_space<hbm>> -> memref<64xi32, #tpu.memory_space<hbm>>
      %dma_start3A_305 = tpu.memref_slice %arg4[%add3A_301] : memref<647168xi32, #tpu.memory_space<hbm>> -> memref<64xi32, #tpu.memory_space<hbm>>
      tpu.enqueue_dma source(%dma_start3A_305 : memref<64xi32, #tpu.memory_space<hbm>>) target(%arg10 : memref<64xi32, #tpu.memory_space<vmem>>) target_semaphore(%arg23 : memref<!tpu.dma_semaphore, #tpu.memory_space<semaphore_mem>>)
      %dma_start3A_306 = arith.constant 0 : i32
      %dma_start3A_307 = arith.constant 0 : i32
      %dma_start3A_308 = tpu.memref_slice %arg18[%dma_start3A_306, %dma_start3A_307] : memref<10240x144xf32, #tpu.memory_space<vmem_shared>> -> memref<10240x144xf32, #tpu.memory_space<vmem_shared>>
      tpu.enqueue_indirect_dma source(%arg14 : memref<64x144xf32, #tpu.memory_space<vmem>>) target(%dma_start3A_308 : memref<10240x144xf32, #tpu.memory_space<vmem_shared>>) offsets(%arg10 : memref<64xi32, #tpu.memory_space<vmem>>) semaphore(%arg31 : memref<!tpu.dma_semaphore, #tpu.memory_space<semaphore_mem>>) {add = true}
      %dma_wait3A_309 = arith.constant 0 : i32
      %dma_wait3A_310 = arith.constant 0 : i32
      %dma_wait3A_311 = tpu.memref_slice %arg2[%dma_wait3A_309, %dma_wait3A_310] : memref<10240x144xf32, #tpu.memory_space<hbm>> -> memref<10240x144xf32, #tpu.memory_space<hbm>>
      tpu.wait_indirect_dma semaphore(%arg28 : memref<!tpu.dma_semaphore, #tpu.memory_space<semaphore_mem>>) src(%dma_wait3A_311 : memref<10240x144xf32, #tpu.memory_space<hbm>>) dst(%arg15 : memref<64x144xf32, #tpu.memory_space<vmem>>)
      %add3A_312 = arith.constant 1 : i32
      %add3A_313 = arith.addi %mul3A_289, %add3A_312 : i32
      %add3A_314 = arith.constant 4 : i32
      %add3A_315 = arith.addi %add3A_313, %add3A_314 : i32
      %mul3A_316 = arith.constant 20224 : i32
      %mul3A_317 = arith.muli %add3A, %mul3A_316 : i32
      %mul3A_318 = arith.constant 64 : i32
      %mul3A_319 = arith.muli %add3A_315, %mul3A_318 : i32
      %add3A_320 = arith.addi %mul3A_317, %mul3A_319 : i32
      %dma_start3A_321 = tpu.memref_slice %arg3[%add3A_320] : memref<647168xi32, #tpu.memory_space<hbm>> -> memref<64xi32, #tpu.memory_space<hbm>>
      %dma_start3A_322 = tpu.memref_slice %arg3[%add3A_320] : memref<647168xi32, #tpu.memory_space<hbm>> -> memref<64xi32, #tpu.memory_space<hbm>>
      tpu.enqueue_dma source(%dma_start3A_322 : memref<64xi32, #tpu.memory_space<hbm>>) target(%arg7 : memref<64xi32, #tpu.memory_space<vmem>>) target_semaphore(%arg20 : memref<!tpu.dma_semaphore, #tpu.memory_space<semaphore_mem>>)
      %dma_start3A_323 = tpu.memref_slice %arg4[%add3A_320] : memref<647168xi32, #tpu.memory_space<hbm>> -> memref<64xi32, #tpu.memory_space<hbm>>
      %dma_start3A_324 = tpu.memref_slice %arg4[%add3A_320] : memref<647168xi32, #tpu.memory_space<hbm>> -> memref<64xi32, #tpu.memory_space<hbm>>
      tpu.enqueue_dma source(%dma_start3A_324 : memref<64xi32, #tpu.memory_space<hbm>>) target(%arg11 : memref<64xi32, #tpu.memory_space<vmem>>) target_semaphore(%arg24 : memref<!tpu.dma_semaphore, #tpu.memory_space<semaphore_mem>>)
      %dma_start3A_325 = arith.constant 0 : i32
      %dma_start3A_326 = arith.constant 0 : i32
      %dma_start3A_327 = tpu.memref_slice %arg18[%dma_start3A_325, %dma_start3A_326] : memref<10240x144xf32, #tpu.memory_space<vmem_shared>> -> memref<10240x144xf32, #tpu.memory_space<vmem_shared>>
      tpu.enqueue_indirect_dma source(%arg15 : memref<64x144xf32, #tpu.memory_space<vmem>>) target(%dma_start3A_327 : memref<10240x144xf32, #tpu.memory_space<vmem_shared>>) offsets(%arg11 : memref<64xi32, #tpu.memory_space<vmem>>) semaphore(%arg32 : memref<!tpu.dma_semaphore, #tpu.memory_space<semaphore_mem>>) {add = true}
      %dma_wait3A_328 = arith.constant 0 : i32
      %dma_wait3A_329 = arith.constant 0 : i32
      %dma_wait3A_330 = tpu.memref_slice %arg2[%dma_wait3A_328, %dma_wait3A_329] : memref<10240x144xf32, #tpu.memory_space<hbm>> -> memref<10240x144xf32, #tpu.memory_space<hbm>>
      tpu.wait_indirect_dma semaphore(%arg29 : memref<!tpu.dma_semaphore, #tpu.memory_space<semaphore_mem>>) src(%dma_wait3A_330 : memref<10240x144xf32, #tpu.memory_space<hbm>>) dst(%arg16 : memref<64x144xf32, #tpu.memory_space<vmem>>)
      %add3A_331 = arith.constant 2 : i32
      %add3A_332 = arith.addi %mul3A_289, %add3A_331 : i32
      %add3A_333 = arith.constant 4 : i32
      %add3A_334 = arith.addi %add3A_332, %add3A_333 : i32
      %mul3A_335 = arith.constant 20224 : i32
      %mul3A_336 = arith.muli %add3A, %mul3A_335 : i32
      %mul3A_337 = arith.constant 64 : i32
      %mul3A_338 = arith.muli %add3A_334, %mul3A_337 : i32
      %add3A_339 = arith.addi %mul3A_336, %mul3A_338 : i32
      %dma_start3A_340 = tpu.memref_slice %arg3[%add3A_339] : memref<647168xi32, #tpu.memory_space<hbm>> -> memref<64xi32, #tpu.memory_space<hbm>>
      %dma_start3A_341 = tpu.memref_slice %arg3[%add3A_339] : memref<647168xi32, #tpu.memory_space<hbm>> -> memref<64xi32, #tpu.memory_space<hbm>>
      tpu.enqueue_dma source(%dma_start3A_341 : memref<64xi32, #tpu.memory_space<hbm>>) target(%arg8 : memref<64xi32, #tpu.memory_space<vmem>>) target_semaphore(%arg21 : memref<!tpu.dma_semaphore, #tpu.memory_space<semaphore_mem>>)
      %dma_start3A_342 = tpu.memref_slice %arg4[%add3A_339] : memref<647168xi32, #tpu.memory_space<hbm>> -> memref<64xi32, #tpu.memory_space<hbm>>
      %dma_start3A_343 = tpu.memref_slice %arg4[%add3A_339] : memref<647168xi32, #tpu.memory_space<hbm>> -> memref<64xi32, #tpu.memory_space<hbm>>
      tpu.enqueue_dma source(%dma_start3A_343 : memref<64xi32, #tpu.memory_space<hbm>>) target(%arg12 : memref<64xi32, #tpu.memory_space<vmem>>) target_semaphore(%arg25 : memref<!tpu.dma_semaphore, #tpu.memory_space<semaphore_mem>>)
      %dma_start3A_344 = arith.constant 0 : i32
      %dma_start3A_345 = arith.constant 0 : i32
      %dma_start3A_346 = tpu.memref_slice %arg18[%dma_start3A_344, %dma_start3A_345] : memref<10240x144xf32, #tpu.memory_space<vmem_shared>> -> memref<10240x144xf32, #tpu.memory_space<vmem_shared>>
      tpu.enqueue_indirect_dma source(%arg16 : memref<64x144xf32, #tpu.memory_space<vmem>>) target(%dma_start3A_346 : memref<10240x144xf32, #tpu.memory_space<vmem_shared>>) offsets(%arg12 : memref<64xi32, #tpu.memory_space<vmem>>) semaphore(%arg33 : memref<!tpu.dma_semaphore, #tpu.memory_space<semaphore_mem>>) {add = true}
      %dma_wait3A_347 = arith.constant 0 : i32
      %dma_wait3A_348 = arith.constant 0 : i32
      %dma_wait3A_349 = tpu.memref_slice %arg2[%dma_wait3A_347, %dma_wait3A_348] : memref<10240x144xf32, #tpu.memory_space<hbm>> -> memref<10240x144xf32, #tpu.memory_space<hbm>>
      tpu.wait_indirect_dma semaphore(%arg30 : memref<!tpu.dma_semaphore, #tpu.memory_space<semaphore_mem>>) src(%dma_wait3A_349 : memref<10240x144xf32, #tpu.memory_space<hbm>>) dst(%arg17 : memref<64x144xf32, #tpu.memory_space<vmem>>)
      %add3A_350 = arith.constant 3 : i32
      %add3A_351 = arith.addi %mul3A_289, %add3A_350 : i32
      %add3A_352 = arith.constant 4 : i32
      %add3A_353 = arith.addi %add3A_351, %add3A_352 : i32
      %mul3A_354 = arith.constant 20224 : i32
      %mul3A_355 = arith.muli %add3A, %mul3A_354 : i32
      %mul3A_356 = arith.constant 64 : i32
      %mul3A_357 = arith.muli %add3A_353, %mul3A_356 : i32
      %add3A_358 = arith.addi %mul3A_355, %mul3A_357 : i32
      %dma_start3A_359 = tpu.memref_slice %arg3[%add3A_358] : memref<647168xi32, #tpu.memory_space<hbm>> -> memref<64xi32, #tpu.memory_space<hbm>>
      %dma_start3A_360 = tpu.memref_slice %arg3[%add3A_358] : memref<647168xi32, #tpu.memory_space<hbm>> -> memref<64xi32, #tpu.memory_space<hbm>>
      tpu.enqueue_dma source(%dma_start3A_360 : memref<64xi32, #tpu.memory_space<hbm>>) target(%arg9 : memref<64xi32, #tpu.memory_space<vmem>>) target_semaphore(%arg22 : memref<!tpu.dma_semaphore, #tpu.memory_space<semaphore_mem>>)
      %dma_start3A_361 = tpu.memref_slice %arg4[%add3A_358] : memref<647168xi32, #tpu.memory_space<hbm>> -> memref<64xi32, #tpu.memory_space<hbm>>
      %dma_start3A_362 = tpu.memref_slice %arg4[%add3A_358] : memref<647168xi32, #tpu.memory_space<hbm>> -> memref<64xi32, #tpu.memory_space<hbm>>
      tpu.enqueue_dma source(%dma_start3A_362 : memref<64xi32, #tpu.memory_space<hbm>>) target(%arg13 : memref<64xi32, #tpu.memory_space<vmem>>) target_semaphore(%arg26 : memref<!tpu.dma_semaphore, #tpu.memory_space<semaphore_mem>>)
      %dma_start3A_363 = arith.constant 0 : i32
      %dma_start3A_364 = arith.constant 0 : i32
      %dma_start3A_365 = tpu.memref_slice %arg18[%dma_start3A_363, %dma_start3A_364] : memref<10240x144xf32, #tpu.memory_space<vmem_shared>> -> memref<10240x144xf32, #tpu.memory_space<vmem_shared>>
      tpu.enqueue_indirect_dma source(%arg17 : memref<64x144xf32, #tpu.memory_space<vmem>>) target(%dma_start3A_365 : memref<10240x144xf32, #tpu.memory_space<vmem_shared>>) offsets(%arg13 : memref<64xi32, #tpu.memory_space<vmem>>) semaphore(%arg34 : memref<!tpu.dma_semaphore, #tpu.memory_space<semaphore_mem>>) {add = true}
      %dma_wait3A_366 = arith.constant 0 : i32
      %dma_wait3A_367 = arith.constant 0 : i32
      %dma_wait3A_368 = tpu.memref_slice %arg18[%dma_wait3A_366, %dma_wait3A_367] : memref<10240x144xf32, #tpu.memory_space<vmem_shared>> -> memref<10240x144xf32, #tpu.memory_space<vmem_shared>>
      tpu.wait_indirect_dma semaphore(%arg31 : memref<!tpu.dma_semaphore, #tpu.memory_space<semaphore_mem>>) src(%arg14 : memref<64x144xf32, #tpu.memory_space<vmem>>) dst(%dma_wait3A_368 : memref<10240x144xf32, #tpu.memory_space<vmem_shared>>)
      %add3A_369 = arith.constant 0 : i32
      %add3A_370 = arith.addi %mul3A_289, %add3A_369 : i32
      %add3A_371 = arith.constant 4 : i32
      %add3A_372 = arith.addi %add3A_370, %add3A_371 : i32
      %mul3A_373 = arith.constant 20224 : i32
      %mul3A_374 = arith.muli %add3A, %mul3A_373 : i32
      %mul3A_375 = arith.constant 64 : i32
      %mul3A_376 = arith.muli %add3A_372, %mul3A_375 : i32
      %add3A_377 = arith.addi %mul3A_374, %mul3A_376 : i32
      %dma_wait3A_378 = tpu.memref_slice %arg3[%add3A_377] : memref<647168xi32, #tpu.memory_space<hbm>> -> memref<64xi32, #tpu.memory_space<hbm>>
      %dma_wait3A_379 = tpu.memref_slice %arg3[%add3A_377] : memref<647168xi32, #tpu.memory_space<hbm>> -> memref<64xi32, #tpu.memory_space<hbm>>
      tpu.wait_dma2 semaphore(%arg19 : memref<!tpu.dma_semaphore, #tpu.memory_space<semaphore_mem>>) src(%dma_wait3A_379 : memref<64xi32, #tpu.memory_space<hbm>>) dst(%arg6 : memref<64xi32, #tpu.memory_space<vmem>>)
      %dma_wait3A_380 = tpu.memref_slice %arg4[%add3A_377] : memref<647168xi32, #tpu.memory_space<hbm>> -> memref<64xi32, #tpu.memory_space<hbm>>
      %dma_wait3A_381 = tpu.memref_slice %arg4[%add3A_377] : memref<647168xi32, #tpu.memory_space<hbm>> -> memref<64xi32, #tpu.memory_space<hbm>>
      tpu.wait_dma2 semaphore(%arg23 : memref<!tpu.dma_semaphore, #tpu.memory_space<semaphore_mem>>) src(%dma_wait3A_381 : memref<64xi32, #tpu.memory_space<hbm>>) dst(%arg10 : memref<64xi32, #tpu.memory_space<vmem>>)
      %dma_start3A_382 = arith.constant 0 : i32
      %dma_start3A_383 = arith.constant 0 : i32
      %dma_start3A_384 = tpu.memref_slice %arg2[%dma_start3A_382, %dma_start3A_383] : memref<10240x144xf32, #tpu.memory_space<hbm>> -> memref<10240x144xf32, #tpu.memory_space<hbm>>
      tpu.enqueue_indirect_dma source(%dma_start3A_384 : memref<10240x144xf32, #tpu.memory_space<hbm>>) target(%arg14 : memref<64x144xf32, #tpu.memory_space<vmem>>) offsets(%arg6 : memref<64xi32, #tpu.memory_space<vmem>>) semaphore(%arg27 : memref<!tpu.dma_semaphore, #tpu.memory_space<semaphore_mem>>)
      %dma_wait3A_385 = arith.constant 0 : i32
      %dma_wait3A_386 = arith.constant 0 : i32
      %dma_wait3A_387 = tpu.memref_slice %arg18[%dma_wait3A_385, %dma_wait3A_386] : memref<10240x144xf32, #tpu.memory_space<vmem_shared>> -> memref<10240x144xf32, #tpu.memory_space<vmem_shared>>
      tpu.wait_indirect_dma semaphore(%arg32 : memref<!tpu.dma_semaphore, #tpu.memory_space<semaphore_mem>>) src(%arg15 : memref<64x144xf32, #tpu.memory_space<vmem>>) dst(%dma_wait3A_387 : memref<10240x144xf32, #tpu.memory_space<vmem_shared>>)
      %add3A_388 = arith.constant 1 : i32
      %add3A_389 = arith.addi %mul3A_289, %add3A_388 : i32
      %add3A_390 = arith.constant 4 : i32
      %add3A_391 = arith.addi %add3A_389, %add3A_390 : i32
      %mul3A_392 = arith.constant 20224 : i32
      %mul3A_393 = arith.muli %add3A, %mul3A_392 : i32
      %mul3A_394 = arith.constant 64 : i32
      %mul3A_395 = arith.muli %add3A_391, %mul3A_394 : i32
      %add3A_396 = arith.addi %mul3A_393, %mul3A_395 : i32
      %dma_wait3A_397 = tpu.memref_slice %arg3[%add3A_396] : memref<647168xi32, #tpu.memory_space<hbm>> -> memref<64xi32, #tpu.memory_space<hbm>>
      %dma_wait3A_398 = tpu.memref_slice %arg3[%add3A_396] : memref<647168xi32, #tpu.memory_space<hbm>> -> memref<64xi32, #tpu.memory_space<hbm>>
      tpu.wait_dma2 semaphore(%arg20 : memref<!tpu.dma_semaphore, #tpu.memory_space<semaphore_mem>>) src(%dma_wait3A_398 : memref<64xi32, #tpu.memory_space<hbm>>) dst(%arg7 : memref<64xi32, #tpu.memory_space<vmem>>)
      %dma_wait3A_399 = tpu.memref_slice %arg4[%add3A_396] : memref<647168xi32, #tpu.memory_space<hbm>> -> memref<64xi32, #tpu.memory_space<hbm>>
      %dma_wait3A_400 = tpu.memref_slice %arg4[%add3A_396] : memref<647168xi32, #tpu.memory_space<hbm>> -> memref<64xi32, #tpu.memory_space<hbm>>
      tpu.wait_dma2 semaphore(%arg24 : memref<!tpu.dma_semaphore, #tpu.memory_space<semaphore_mem>>) src(%dma_wait3A_400 : memref<64xi32, #tpu.memory_space<hbm>>) dst(%arg11 : memref<64xi32, #tpu.memory_space<vmem>>)
      %dma_start3A_401 = arith.constant 0 : i32
      %dma_start3A_402 = arith.constant 0 : i32
      %dma_start3A_403 = tpu.memref_slice %arg2[%dma_start3A_401, %dma_start3A_402] : memref<10240x144xf32, #tpu.memory_space<hbm>> -> memref<10240x144xf32, #tpu.memory_space<hbm>>
      tpu.enqueue_indirect_dma source(%dma_start3A_403 : memref<10240x144xf32, #tpu.memory_space<hbm>>) target(%arg15 : memref<64x144xf32, #tpu.memory_space<vmem>>) offsets(%arg7 : memref<64xi32, #tpu.memory_space<vmem>>) semaphore(%arg28 : memref<!tpu.dma_semaphore, #tpu.memory_space<semaphore_mem>>)
      %dma_wait3A_404 = arith.constant 0 : i32
      %dma_wait3A_405 = arith.constant 0 : i32
      %dma_wait3A_406 = tpu.memref_slice %arg18[%dma_wait3A_404, %dma_wait3A_405] : memref<10240x144xf32, #tpu.memory_space<vmem_shared>> -> memref<10240x144xf32, #tpu.memory_space<vmem_shared>>
      tpu.wait_indirect_dma semaphore(%arg33 : memref<!tpu.dma_semaphore, #tpu.memory_space<semaphore_mem>>) src(%arg16 : memref<64x144xf32, #tpu.memory_space<vmem>>) dst(%dma_wait3A_406 : memref<10240x144xf32, #tpu.memory_space<vmem_shared>>)
      %add3A_407 = arith.constant 2 : i32
      %add3A_408 = arith.addi %mul3A_289, %add3A_407 : i32
      %add3A_409 = arith.constant 4 : i32
      %add3A_410 = arith.addi %add3A_408, %add3A_409 : i32
      %mul3A_411 = arith.constant 20224 : i32
      %mul3A_412 = arith.muli %add3A, %mul3A_411 : i32
      %mul3A_413 = arith.constant 64 : i32
      %mul3A_414 = arith.muli %add3A_410, %mul3A_413 : i32
      %add3A_415 = arith.addi %mul3A_412, %mul3A_414 : i32
      %dma_wait3A_416 = tpu.memref_slice %arg3[%add3A_415] : memref<647168xi32, #tpu.memory_space<hbm>> -> memref<64xi32, #tpu.memory_space<hbm>>
      %dma_wait3A_417 = tpu.memref_slice %arg3[%add3A_415] : memref<647168xi32, #tpu.memory_space<hbm>> -> memref<64xi32, #tpu.memory_space<hbm>>
      tpu.wait_dma2 semaphore(%arg21 : memref<!tpu.dma_semaphore, #tpu.memory_space<semaphore_mem>>) src(%dma_wait3A_417 : memref<64xi32, #tpu.memory_space<hbm>>) dst(%arg8 : memref<64xi32, #tpu.memory_space<vmem>>)
      %dma_wait3A_418 = tpu.memref_slice %arg4[%add3A_415] : memref<647168xi32, #tpu.memory_space<hbm>> -> memref<64xi32, #tpu.memory_space<hbm>>
      %dma_wait3A_419 = tpu.memref_slice %arg4[%add3A_415] : memref<647168xi32, #tpu.memory_space<hbm>> -> memref<64xi32, #tpu.memory_space<hbm>>
      tpu.wait_dma2 semaphore(%arg25 : memref<!tpu.dma_semaphore, #tpu.memory_space<semaphore_mem>>) src(%dma_wait3A_419 : memref<64xi32, #tpu.memory_space<hbm>>) dst(%arg12 : memref<64xi32, #tpu.memory_space<vmem>>)
      %dma_start3A_420 = arith.constant 0 : i32
      %dma_start3A_421 = arith.constant 0 : i32
      %dma_start3A_422 = tpu.memref_slice %arg2[%dma_start3A_420, %dma_start3A_421] : memref<10240x144xf32, #tpu.memory_space<hbm>> -> memref<10240x144xf32, #tpu.memory_space<hbm>>
      tpu.enqueue_indirect_dma source(%dma_start3A_422 : memref<10240x144xf32, #tpu.memory_space<hbm>>) target(%arg16 : memref<64x144xf32, #tpu.memory_space<vmem>>) offsets(%arg8 : memref<64xi32, #tpu.memory_space<vmem>>) semaphore(%arg29 : memref<!tpu.dma_semaphore, #tpu.memory_space<semaphore_mem>>)
      %dma_wait3A_423 = arith.constant 0 : i32
      %dma_wait3A_424 = arith.constant 0 : i32
      %dma_wait3A_425 = tpu.memref_slice %arg18[%dma_wait3A_423, %dma_wait3A_424] : memref<10240x144xf32, #tpu.memory_space<vmem_shared>> -> memref<10240x144xf32, #tpu.memory_space<vmem_shared>>
      tpu.wait_indirect_dma semaphore(%arg34 : memref<!tpu.dma_semaphore, #tpu.memory_space<semaphore_mem>>) src(%arg17 : memref<64x144xf32, #tpu.memory_space<vmem>>) dst(%dma_wait3A_425 : memref<10240x144xf32, #tpu.memory_space<vmem_shared>>)
      %add3A_426 = arith.constant 3 : i32
      %add3A_427 = arith.addi %mul3A_289, %add3A_426 : i32
      %add3A_428 = arith.constant 4 : i32
      %add3A_429 = arith.addi %add3A_427, %add3A_428 : i32
      %mul3A_430 = arith.constant 20224 : i32
      %mul3A_431 = arith.muli %add3A, %mul3A_430 : i32
      %mul3A_432 = arith.constant 64 : i32
      %mul3A_433 = arith.muli %add3A_429, %mul3A_432 : i32
      %add3A_434 = arith.addi %mul3A_431, %mul3A_433 : i32
      %dma_wait3A_435 = tpu.memref_slice %arg3[%add3A_434] : memref<647168xi32, #tpu.memory_space<hbm>> -> memref<64xi32, #tpu.memory_space<hbm>>
      %dma_wait3A_436 = tpu.memref_slice %arg3[%add3A_434] : memref<647168xi32, #tpu.memory_space<hbm>> -> memref<64xi32, #tpu.memory_space<hbm>>
      tpu.wait_dma2 semaphore(%arg22 : memref<!tpu.dma_semaphore, #tpu.memory_space<semaphore_mem>>) src(%dma_wait3A_436 : memref<64xi32, #tpu.memory_space<hbm>>) dst(%arg9 : memref<64xi32, #tpu.memory_space<vmem>>)
      %dma_wait3A_437 = tpu.memref_slice %arg4[%add3A_434] : memref<647168xi32, #tpu.memory_space<hbm>> -> memref<64xi32, #tpu.memory_space<hbm>>
      %dma_wait3A_438 = tpu.memref_slice %arg4[%add3A_434] : memref<647168xi32, #tpu.memory_space<hbm>> -> memref<64xi32, #tpu.memory_space<hbm>>
      tpu.wait_dma2 semaphore(%arg26 : memref<!tpu.dma_semaphore, #tpu.memory_space<semaphore_mem>>) src(%dma_wait3A_438 : memref<64xi32, #tpu.memory_space<hbm>>) dst(%arg13 : memref<64xi32, #tpu.memory_space<vmem>>)
      %dma_start3A_439 = arith.constant 0 : i32
      %dma_start3A_440 = arith.constant 0 : i32
      %dma_start3A_441 = tpu.memref_slice %arg2[%dma_start3A_439, %dma_start3A_440] : memref<10240x144xf32, #tpu.memory_space<hbm>> -> memref<10240x144xf32, #tpu.memory_space<hbm>>
      tpu.enqueue_indirect_dma source(%dma_start3A_441 : memref<10240x144xf32, #tpu.memory_space<hbm>>) target(%arg17 : memref<64x144xf32, #tpu.memory_space<vmem>>) offsets(%arg9 : memref<64xi32, #tpu.memory_space<vmem>>) semaphore(%arg30 : memref<!tpu.dma_semaphore, #tpu.memory_space<semaphore_mem>>)
    }
    %scan3A_245 = arith.constant 78 : i32
    %dma_wait3A_246 = arith.constant 0 : i32
    %dma_wait3A_247 = arith.constant 0 : i32
    %dma_wait3A_248 = tpu.memref_slice %arg2[%dma_wait3A_246, %dma_wait3A_247] : memref<10240x144xf32, #tpu.memory_space<hbm>> -> memref<10240x144xf32, #tpu.memory_space<hbm>>
    tpu.wait_indirect_dma semaphore(%arg27 : memref<!tpu.dma_semaphore, #tpu.memory_space<semaphore_mem>>) src(%dma_wait3A_248 : memref<10240x144xf32, #tpu.memory_space<hbm>>) dst(%arg14 : memref<64x144xf32, #tpu.memory_space<vmem>>)
    %dma_start3A_249 = arith.constant 0 : i32
    %dma_start3A_250 = arith.constant 0 : i32
    %dma_start3A_251 = tpu.memref_slice %arg18[%dma_start3A_249, %dma_start3A_250] : memref<10240x144xf32, #tpu.memory_space<vmem_shared>> -> memref<10240x144xf32, #tpu.memory_space<vmem_shared>>
    tpu.enqueue_indirect_dma source(%arg14 : memref<64x144xf32, #tpu.memory_space<vmem>>) target(%dma_start3A_251 : memref<10240x144xf32, #tpu.memory_space<vmem_shared>>) offsets(%arg10 : memref<64xi32, #tpu.memory_space<vmem>>) semaphore(%arg31 : memref<!tpu.dma_semaphore, #tpu.memory_space<semaphore_mem>>) {add = true}
    %dma_wait3A_252 = arith.constant 0 : i32
    %dma_wait3A_253 = arith.constant 0 : i32
    %dma_wait3A_254 = tpu.memref_slice %arg2[%dma_wait3A_252, %dma_wait3A_253] : memref<10240x144xf32, #tpu.memory_space<hbm>> -> memref<10240x144xf32, #tpu.memory_space<hbm>>
    tpu.wait_indirect_dma semaphore(%arg28 : memref<!tpu.dma_semaphore, #tpu.memory_space<semaphore_mem>>) src(%dma_wait3A_254 : memref<10240x144xf32, #tpu.memory_space<hbm>>) dst(%arg15 : memref<64x144xf32, #tpu.memory_space<vmem>>)
    %dma_start3A_255 = arith.constant 0 : i32
    %dma_start3A_256 = arith.constant 0 : i32
    %dma_start3A_257 = tpu.memref_slice %arg18[%dma_start3A_255, %dma_start3A_256] : memref<10240x144xf32, #tpu.memory_space<vmem_shared>> -> memref<10240x144xf32, #tpu.memory_space<vmem_shared>>
    tpu.enqueue_indirect_dma source(%arg15 : memref<64x144xf32, #tpu.memory_space<vmem>>) target(%dma_start3A_257 : memref<10240x144xf32, #tpu.memory_space<vmem_shared>>) offsets(%arg11 : memref<64xi32, #tpu.memory_space<vmem>>) semaphore(%arg32 : memref<!tpu.dma_semaphore, #tpu.memory_space<semaphore_mem>>) {add = true}
    %dma_wait3A_258 = arith.constant 0 : i32
    %dma_wait3A_259 = arith.constant 0 : i32
    %dma_wait3A_260 = tpu.memref_slice %arg2[%dma_wait3A_258, %dma_wait3A_259] : memref<10240x144xf32, #tpu.memory_space<hbm>> -> memref<10240x144xf32, #tpu.memory_space<hbm>>
    tpu.wait_indirect_dma semaphore(%arg29 : memref<!tpu.dma_semaphore, #tpu.memory_space<semaphore_mem>>) src(%dma_wait3A_260 : memref<10240x144xf32, #tpu.memory_space<hbm>>) dst(%arg16 : memref<64x144xf32, #tpu.memory_space<vmem>>)
    %dma_start3A_261 = arith.constant 0 : i32
    %dma_start3A_262 = arith.constant 0 : i32
    %dma_start3A_263 = tpu.memref_slice %arg18[%dma_start3A_261, %dma_start3A_262] : memref<10240x144xf32, #tpu.memory_space<vmem_shared>> -> memref<10240x144xf32, #tpu.memory_space<vmem_shared>>
    tpu.enqueue_indirect_dma source(%arg16 : memref<64x144xf32, #tpu.memory_space<vmem>>) target(%dma_start3A_263 : memref<10240x144xf32, #tpu.memory_space<vmem_shared>>) offsets(%arg12 : memref<64xi32, #tpu.memory_space<vmem>>) semaphore(%arg33 : memref<!tpu.dma_semaphore, #tpu.memory_space<semaphore_mem>>) {add = true}
    %dma_wait3A_264 = arith.constant 0 : i32
    %dma_wait3A_265 = arith.constant 0 : i32
    %dma_wait3A_266 = tpu.memref_slice %arg2[%dma_wait3A_264, %dma_wait3A_265] : memref<10240x144xf32, #tpu.memory_space<hbm>> -> memref<10240x144xf32, #tpu.memory_space<hbm>>
    tpu.wait_indirect_dma semaphore(%arg30 : memref<!tpu.dma_semaphore, #tpu.memory_space<semaphore_mem>>) src(%dma_wait3A_266 : memref<10240x144xf32, #tpu.memory_space<hbm>>) dst(%arg17 : memref<64x144xf32, #tpu.memory_space<vmem>>)
    %dma_start3A_267 = arith.constant 0 : i32
    %dma_start3A_268 = arith.constant 0 : i32
    %dma_start3A_269 = tpu.memref_slice %arg18[%dma_start3A_267, %dma_start3A_268] : memref<10240x144xf32, #tpu.memory_space<vmem_shared>> -> memref<10240x144xf32, #tpu.memory_space<vmem_shared>>
    tpu.enqueue_indirect_dma source(%arg17 : memref<64x144xf32, #tpu.memory_space<vmem>>) target(%dma_start3A_269 : memref<10240x144xf32, #tpu.memory_space<vmem_shared>>) offsets(%arg13 : memref<64xi32, #tpu.memory_space<vmem>>) semaphore(%arg34 : memref<!tpu.dma_semaphore, #tpu.memory_space<semaphore_mem>>) {add = true}
    %dma_wait3A_270 = arith.constant 0 : i32
    %dma_wait3A_271 = arith.constant 0 : i32
    %dma_wait3A_272 = tpu.memref_slice %arg18[%dma_wait3A_270, %dma_wait3A_271] : memref<10240x144xf32, #tpu.memory_space<vmem_shared>> -> memref<10240x144xf32, #tpu.memory_space<vmem_shared>>
    tpu.wait_indirect_dma semaphore(%arg31 : memref<!tpu.dma_semaphore, #tpu.memory_space<semaphore_mem>>) src(%arg14 : memref<64x144xf32, #tpu.memory_space<vmem>>) dst(%dma_wait3A_272 : memref<10240x144xf32, #tpu.memory_space<vmem_shared>>)
    %dma_wait3A_273 = arith.constant 0 : i32
    %dma_wait3A_274 = arith.constant 0 : i32
    %dma_wait3A_275 = tpu.memref_slice %arg18[%dma_wait3A_273, %dma_wait3A_274] : memref<10240x144xf32, #tpu.memory_space<vmem_shared>> -> memref<10240x144xf32, #tpu.memory_space<vmem_shared>>
    tpu.wait_indirect_dma semaphore(%arg32 : memref<!tpu.dma_semaphore, #tpu.memory_space<semaphore_mem>>) src(%arg15 : memref<64x144xf32, #tpu.memory_space<vmem>>) dst(%dma_wait3A_275 : memref<10240x144xf32, #tpu.memory_space<vmem_shared>>)
    %dma_wait3A_276 = arith.constant 0 : i32
    %dma_wait3A_277 = arith.constant 0 : i32
    %dma_wait3A_278 = tpu.memref_slice %arg18[%dma_wait3A_276, %dma_wait3A_277] : memref<10240x144xf32, #tpu.memory_space<vmem_shared>> -> memref<10240x144xf32, #tpu.memory_space<vmem_shared>>
    tpu.wait_indirect_dma semaphore(%arg33 : memref<!tpu.dma_semaphore, #tpu.memory_space<semaphore_mem>>) src(%arg16 : memref<64x144xf32, #tpu.memory_space<vmem>>) dst(%dma_wait3A_278 : memref<10240x144xf32, #tpu.memory_space<vmem_shared>>)
    %dma_wait3A_279 = arith.constant 0 : i32
    %dma_wait3A_280 = arith.constant 0 : i32
    %dma_wait3A_281 = tpu.memref_slice %arg18[%dma_wait3A_279, %dma_wait3A_280] : memref<10240x144xf32, #tpu.memory_space<vmem_shared>> -> memref<10240x144xf32, #tpu.memory_space<vmem_shared>>
    tpu.wait_indirect_dma semaphore(%arg34 : memref<!tpu.dma_semaphore, #tpu.memory_space<semaphore_mem>>) src(%arg17 : memref<64x144xf32, #tpu.memory_space<vmem>>) dst(%dma_wait3A_281 : memref<10240x144xf32, #tpu.memory_space<vmem_shared>>)
    %barrier3A_282 = arith.constant 0 : index
    tpu.barrier barrier_id(%barrier3A_282)
    %mul3A_283 = arith.constant 640 : i32
    %mul3A_284 = arith.muli %arg1, %mul3A_283 : i32
    %mul3A_285 = arith.constant 640 : i32
    %mul3A_286 = arith.muli %arg1, %mul3A_285 : i32
    "tpu.region"() ({
      %run_scoped3A = tpu.sem_alloc : memref<!tpu.dma_semaphore, #tpu.memory_space<semaphore_mem>>
      %dma_start3A_287 = arith.constant 0 : i32
      %dma_start3A_288 = tpu.memref_slice %arg5[%arg0, %mul3A_286, %dma_start3A_287] : memref<2x10240x144xf32, #tpu.memory_space<hbm>> -> memref<1x640x144xf32, #tpu.memory_space<hbm>>
      %dma_start3A_289 = tpu.memref_squeeze %dma_start3A_288 : memref<1x640x144xf32, #tpu.memory_space<hbm>> -> memref<640x144xf32, #tpu.memory_space<hbm>>
      %dma_start3A_290 = arith.constant 0 : i32
      %dma_start3A_291 = tpu.memref_slice %arg18[%mul3A_284, %dma_start3A_290] : memref<10240x144xf32, #tpu.memory_space<vmem_shared>> -> memref<640x144xf32, #tpu.memory_space<vmem_shared>>
      tpu.enqueue_dma source(%dma_start3A_291 : memref<640x144xf32, #tpu.memory_space<vmem_shared>>) target(%dma_start3A_289 : memref<640x144xf32, #tpu.memory_space<hbm>>) target_semaphore(%run_scoped3A : memref<!tpu.dma_semaphore, #tpu.memory_space<semaphore_mem>>)
      %dma_wait3A_292 = arith.constant 0 : i32
      %dma_wait3A_293 = tpu.memref_slice %arg5[%arg0, %mul3A_286, %dma_wait3A_292] : memref<2x10240x144xf32, #tpu.memory_space<hbm>> -> memref<1x640x144xf32, #tpu.memory_space<hbm>>
      %dma_wait3A_294 = tpu.memref_squeeze %dma_wait3A_293 : memref<1x640x144xf32, #tpu.memory_space<hbm>> -> memref<640x144xf32, #tpu.memory_space<hbm>>
      %dma_wait3A_295 = arith.constant 0 : i32
      %dma_wait3A_296 = tpu.memref_slice %arg18[%mul3A_284, %dma_wait3A_295] : memref<10240x144xf32, #tpu.memory_space<vmem_shared>> -> memref<640x144xf32, #tpu.memory_space<vmem_shared>>
      tpu.wait_dma2 semaphore(%run_scoped3A : memref<!tpu.dma_semaphore, #tpu.memory_space<semaphore_mem>>) src(%dma_wait3A_296 : memref<640x144xf32, #tpu.memory_space<vmem_shared>>) dst(%dma_wait3A_294 : memref<640x144xf32, #tpu.memory_space<hbm>>)
      tpu.yield
    }) : () -> ()
    return
  }
}

module attributes {stable_mosaic.version = 14 : i64} {
  func.func @body(%arg0: i32, %arg1: memref<1000x128xf32, #tpu.memory_space<vmem>>, %arg2: memref<2x1000x144xf32, #tpu.memory_space<vmem>>, %arg3: memref<1000x4xf32, #tpu.memory_space<vmem>>, %arg4: memref<128x128xf32, #tpu.memory_space<vmem>>, %arg5: memref<128x128xf32, #tpu.memory_space<vmem>>, %arg6: memref<1x128xf32, #tpu.memory_space<vmem>>, %arg7: memref<128x64xf32, #tpu.memory_space<vmem>>, %arg8: memref<1x64xf32, #tpu.memory_space<vmem>>, %arg9: memref<64x131xf32, #tpu.memory_space<vmem>>, %arg10: memref<1x131xf32, #tpu.memory_space<vmem>>, %arg11: memref<128x32xf32, #tpu.memory_space<vmem>>, %arg12: memref<1x32xf32, #tpu.memory_space<vmem>>, %arg13: memref<32x1xf32, #tpu.memory_space<vmem>>, %arg14: memref<1x1xf32, #tpu.memory_space<vmem>>, %arg15: memref<1000x132xf32, #tpu.memory_space<vmem>>) attributes {dimension_semantics = [#tpu.dimension_semantics<arbitrary>], iteration_bounds = array<i64: 10>, scalar_prefetch = 0 : i64, scratch_operands = 0 : i64, tpu.core_type = #tpu.core_type<tc>, window_params = [{transform_indices = @transform_0, window_bounds = array<i64: 1000, 128>}, {transform_indices = @transform_1, window_bounds = array<i64: 2, 1000, 144>}, {transform_indices = @transform_2, window_bounds = array<i64: 1000, 4>}, {pipeline_mode = #tpu.pipeline_mode<synchronous>, transform_indices = @transform_3, window_bounds = array<i64: 128, 128>}, {pipeline_mode = #tpu.pipeline_mode<synchronous>, transform_indices = @transform_4, window_bounds = array<i64: 128, 128>}, {pipeline_mode = #tpu.pipeline_mode<synchronous>, transform_indices = @transform_5, window_bounds = array<i64: 1, 128>}, {pipeline_mode = #tpu.pipeline_mode<synchronous>, transform_indices = @transform_6, window_bounds = array<i64: 128, 64>}, {pipeline_mode = #tpu.pipeline_mode<synchronous>, transform_indices = @transform_7, window_bounds = array<i64: 1, 64>}, {pipeline_mode = #tpu.pipeline_mode<synchronous>, transform_indices = @transform_8, window_bounds = array<i64: 64, 131>}, {pipeline_mode = #tpu.pipeline_mode<synchronous>, transform_indices = @transform_9, window_bounds = array<i64: 1, 131>}, {pipeline_mode = #tpu.pipeline_mode<synchronous>, transform_indices = @transform_10, window_bounds = array<i64: 128, 32>}, {pipeline_mode = #tpu.pipeline_mode<synchronous>, transform_indices = @transform_11, window_bounds = array<i64: 1, 32>}, {pipeline_mode = #tpu.pipeline_mode<synchronous>, transform_indices = @transform_12, window_bounds = array<i64: 32, 1>}, {pipeline_mode = #tpu.pipeline_mode<synchronous>, transform_indices = @transform_13, window_bounds = array<i64: 1, 1>}, {transform_indices = @transform_14, window_bounds = array<i64: 1000, 132>}]} {
    %get3A = arith.constant 0 : index
    %get3A_0 = arith.constant 0 : index
    %get3A_1 = arith.constant 0 : index
    %get3A_2 = vector.load %arg2[%get3A, %get3A_0, %get3A_1] : memref<2x1000x144xf32, #tpu.memory_space<vmem>>, vector<1x1000x144xf32>
    %get3A_3 = vector.shape_cast %get3A_2 : vector<1x1000x144xf32> to vector<1000x144xf32>
    %get3A_4 = arith.constant 1 : index
    %get3A_5 = arith.constant 0 : index
    %get3A_6 = arith.constant 0 : index
    %get3A_7 = vector.load %arg2[%get3A_4, %get3A_5, %get3A_6] : memref<2x1000x144xf32, #tpu.memory_space<vmem>>, vector<1x1000x144xf32>
    %get3A_8 = vector.shape_cast %get3A_7 : vector<1x1000x144xf32> to vector<1000x144xf32>
    %add3A = arith.addf %get3A_3, %get3A_8 : vector<1000x144xf32>
    %slice3A = vector.extract_strided_slice %add3A {offsets = [0, 0], sizes = [1000, 128], strides = [1, 1]} : vector<1000x144xf32> to vector<1000x128xf32>
    %slice3A_9 = vector.extract_strided_slice %add3A {offsets = [0, 128], sizes = [1000, 1], strides = [1, 1]} : vector<1000x144xf32> to vector<1000x1xf32>
    %max3A = arith.constant 1.000000e+00 : f32
    %max3A_10 = vector.broadcast %max3A : f32 to vector<1000x1xf32>
    %max3A_11 = arith.maximumf %slice3A_9, %max3A_10 : vector<1000x1xf32>
    %div3A = vector.broadcast %max3A_11 : vector<1000x1xf32> to vector<1000x128xf32>
    %div3A_12 = arith.divf %slice3A, %div3A : vector<1000x128xf32>
    %get3A_13 = arith.constant 0 : index
    %get3A_14 = arith.constant 0 : index
    %get3A_15 = vector.load %arg1[%get3A_13, %get3A_14] : memref<1000x128xf32, #tpu.memory_space<vmem>>, vector<1000x128xf32>
    %get3A_16 = arith.constant 0 : index
    %get3A_17 = arith.constant 0 : index
    %get3A_18 = vector.load %arg4[%get3A_16, %get3A_17] : memref<128x128xf32, #tpu.memory_space<vmem>>, vector<128x128xf32>
    %dot_general3A = arith.constant dense<0.000000e+00> : vector<1000x128xf32>
    %dot_general3A_19 = tpu.matmul %get3A_15, %get3A_18, %dot_general3A {dimension_numbers = #tpu.dot_dimension_numbers<[1], [0], [0], [1], [0, 0, 1, 1], [], []>, transpose_lhs_hint = false} : vector<1000x128xf32>, vector<128x128xf32>, vector<1000x128xf32> -> vector<1000x128xf32>
    %get3A_20 = arith.constant 0 : index
    %get3A_21 = arith.constant 0 : index
    %get3A_22 = vector.load %arg5[%get3A_20, %get3A_21] : memref<128x128xf32, #tpu.memory_space<vmem>>, vector<128x128xf32>
    %dot_general3A_23 = arith.constant dense<0.000000e+00> : vector<1000x128xf32>
    %dot_general3A_24 = tpu.matmul %div3A_12, %get3A_22, %dot_general3A_23 {dimension_numbers = #tpu.dot_dimension_numbers<[1], [0], [0], [1], [0, 0, 1, 1], [], []>, transpose_lhs_hint = false} : vector<1000x128xf32>, vector<128x128xf32>, vector<1000x128xf32> -> vector<1000x128xf32>
    %add3A_25 = arith.addf %dot_general3A_19, %dot_general3A_24 : vector<1000x128xf32>
    %get3A_26 = arith.constant 0 : index
    %get3A_27 = arith.constant 0 : index
    %get3A_28 = vector.load %arg6[%get3A_26, %get3A_27] : memref<1x128xf32, #tpu.memory_space<vmem>>, vector<1x128xf32>
    %add3A_29 = vector.broadcast %get3A_28 : vector<1x128xf32> to vector<1000x128xf32>
    %add3A_30 = arith.addf %add3A_25, %add3A_29 : vector<1000x128xf32>
    %max3A_31 = arith.constant 0.000000e+00 : f32
    %max3A_32 = vector.broadcast %max3A_31 : f32 to vector<1000x128xf32>
    %max3A_33 = arith.maximumf %add3A_30, %max3A_32 : vector<1000x128xf32>
    %get3A_34 = arith.constant 0 : index
    %get3A_35 = arith.constant 0 : index
    %get3A_36 = vector.load %arg7[%get3A_34, %get3A_35] : memref<128x64xf32, #tpu.memory_space<vmem>>, vector<128x64xf32>
    %dot_general3A_37 = arith.constant dense<0.000000e+00> : vector<1000x64xf32>
    %dot_general3A_38 = tpu.matmul %max3A_33, %get3A_36, %dot_general3A_37 {dimension_numbers = #tpu.dot_dimension_numbers<[1], [0], [0], [1], [0, 0, 1, 1], [], []>, transpose_lhs_hint = false} : vector<1000x128xf32>, vector<128x64xf32>, vector<1000x64xf32> -> vector<1000x64xf32>
    %get3A_39 = arith.constant 0 : index
    %get3A_40 = arith.constant 0 : index
    %get3A_41 = vector.load %arg8[%get3A_39, %get3A_40] : memref<1x64xf32, #tpu.memory_space<vmem>>, vector<1x64xf32>
    %add3A_42 = vector.broadcast %get3A_41 : vector<1x64xf32> to vector<1000x64xf32>
    %add3A_43 = arith.addf %dot_general3A_38, %add3A_42 : vector<1000x64xf32>
    %max3A_44 = arith.constant 0.000000e+00 : f32
    %max3A_45 = vector.broadcast %max3A_44 : f32 to vector<1000x64xf32>
    %max3A_46 = arith.maximumf %add3A_43, %max3A_45 : vector<1000x64xf32>
    %get3A_47 = arith.constant 0 : index
    %get3A_48 = arith.constant 0 : index
    %get3A_49 = vector.load %arg9[%get3A_47, %get3A_48] : memref<64x131xf32, #tpu.memory_space<vmem>>, vector<64x131xf32>
    %dot_general3A_50 = arith.constant dense<0.000000e+00> : vector<1000x131xf32>
    %dot_general3A_51 = tpu.matmul %max3A_46, %get3A_49, %dot_general3A_50 {dimension_numbers = #tpu.dot_dimension_numbers<[1], [0], [0], [1], [0, 0, 1, 1], [], []>, transpose_lhs_hint = false} : vector<1000x64xf32>, vector<64x131xf32>, vector<1000x131xf32> -> vector<1000x131xf32>
    %get3A_52 = arith.constant 0 : index
    %get3A_53 = arith.constant 0 : index
    %get3A_54 = vector.load %arg10[%get3A_52, %get3A_53] : memref<1x131xf32, #tpu.memory_space<vmem>>, vector<1x131xf32>
    %add3A_55 = vector.broadcast %get3A_54 : vector<1x131xf32> to vector<1000x131xf32>
    %add3A_56 = arith.addf %dot_general3A_51, %add3A_55 : vector<1000x131xf32>
    %slice3A_57 = vector.extract_strided_slice %add3A_56 {offsets = [0, 0], sizes = [1000, 3], strides = [1, 1]} : vector<1000x131xf32> to vector<1000x3xf32>
    %slice3A_58 = vector.extract_strided_slice %add3A_56 {offsets = [0, 3], sizes = [1000, 128], strides = [1, 1]} : vector<1000x131xf32> to vector<1000x128xf32>
    %get3A_59 = arith.constant 0 : index
    %get3A_60 = arith.constant 0 : index
    %get3A_61 = vector.load %arg11[%get3A_59, %get3A_60] : memref<128x32xf32, #tpu.memory_space<vmem>>, vector<128x32xf32>
    %dot_general3A_62 = arith.constant dense<0.000000e+00> : vector<1000x32xf32>
    %dot_general3A_63 = tpu.matmul %slice3A_58, %get3A_61, %dot_general3A_62 {dimension_numbers = #tpu.dot_dimension_numbers<[1], [0], [0], [1], [0, 0, 1, 1], [], []>, transpose_lhs_hint = false} : vector<1000x128xf32>, vector<128x32xf32>, vector<1000x32xf32> -> vector<1000x32xf32>
    %get3A_64 = arith.constant 0 : index
    %get3A_65 = arith.constant 0 : index
    %get3A_66 = vector.load %arg12[%get3A_64, %get3A_65] : memref<1x32xf32, #tpu.memory_space<vmem>>, vector<1x32xf32>
    %add3A_67 = vector.broadcast %get3A_66 : vector<1x32xf32> to vector<1000x32xf32>
    %add3A_68 = arith.addf %dot_general3A_63, %add3A_67 : vector<1000x32xf32>
    %max3A_69 = arith.constant 0.000000e+00 : f32
    %max3A_70 = vector.broadcast %max3A_69 : f32 to vector<1000x32xf32>
    %max3A_71 = arith.maximumf %add3A_68, %max3A_70 : vector<1000x32xf32>
    %get3A_72 = arith.constant 0 : index
    %get3A_73 = arith.constant 0 : index
    %get3A_74 = vector.load %arg13[%get3A_72, %get3A_73] : memref<32x1xf32, #tpu.memory_space<vmem>>, vector<32x1xf32>
    %dot_general3A_75 = arith.constant dense<0.000000e+00> : vector<1000x1xf32>
    %dot_general3A_76 = tpu.matmul %max3A_71, %get3A_74, %dot_general3A_75 {dimension_numbers = #tpu.dot_dimension_numbers<[1], [0], [0], [1], [0, 0, 1, 1], [], []>, transpose_lhs_hint = false} : vector<1000x32xf32>, vector<32x1xf32>, vector<1000x1xf32> -> vector<1000x1xf32>
    %get3A_77 = arith.constant 0 : index
    %get3A_78 = arith.constant 0 : index
    %get3A_79 = vector.load %arg14[%get3A_77, %get3A_78] : memref<1x1xf32, #tpu.memory_space<vmem>>, vector<1x1xf32>
    %add3A_80 = vector.broadcast %get3A_79 : vector<1x1xf32> to vector<1000x1xf32>
    %add3A_81 = arith.addf %dot_general3A_76, %add3A_80 : vector<1000x1xf32>
    %logistic3A = arith.negf %add3A_81 : vector<1000x1xf32>
    %logistic3A_82 = math.exp %logistic3A : vector<1000x1xf32>
    %logistic3A_83 = arith.constant 1.000000e+00 : f32
    %logistic3A_84 = vector.broadcast %logistic3A_83 : f32 to vector<1000x1xf32>
    %logistic3A_85 = arith.addf %logistic3A_84, %logistic3A_82 : vector<1000x1xf32>
    %logistic3A_86 = arith.divf %logistic3A_84, %logistic3A_85 : vector<1000x1xf32>
    %get3A_87 = arith.constant 0 : index
    %get3A_88 = arith.constant 0 : index
    %get3A_89 = vector.load %arg3[%get3A_87, %get3A_88] : memref<1000x4xf32, #tpu.memory_space<vmem>>, vector<1000x4xf32>
    %reduce_max3A = arith.constant dense<0xFF800000> : vector<1000xf32>
    %reduce_max3A_90 = vector.multi_reduction <maximumf>, %get3A_89, %reduce_max3A [1] : vector<1000x4xf32> to vector<1000xf32>
    %broadcast_in_dim3A = vector.shape_cast %reduce_max3A_90 : vector<1000xf32> to vector<1000x1xf32>
    %sub3A = vector.broadcast %broadcast_in_dim3A : vector<1000x1xf32> to vector<1000x4xf32>
    %sub3A_91 = arith.subf %get3A_89, %sub3A : vector<1000x4xf32>
    %exp3A = math.exp %sub3A_91 : vector<1000x4xf32>
    %slice3A_92 = vector.extract_strided_slice %exp3A {offsets = [0, 0], sizes = [1000, 1], strides = [1, 1]} : vector<1000x4xf32> to vector<1000x1xf32>
    %reduce_sum3A = arith.constant dense<0.000000e+00> : vector<1000xf32>
    %reduce_sum3A_93 = vector.multi_reduction <add>, %exp3A, %reduce_sum3A [1] : vector<1000x4xf32> to vector<1000xf32>
    %broadcast_in_dim3A_94 = vector.shape_cast %reduce_sum3A_93 : vector<1000xf32> to vector<1000x1xf32>
    %div3A_95 = arith.divf %slice3A_92, %broadcast_in_dim3A_94 : vector<1000x1xf32>
    %gt3A = arith.constant 5.000000e-01 : f32
    %gt3A_96 = vector.broadcast %gt3A : f32 to vector<1000x1xf32>
    %gt3A_97 = arith.cmpf ogt, %div3A_95, %gt3A_96 : vector<1000x1xf32>
    %gt3A_98 = arith.constant 0.000000e+00 : f32
    %gt3A_99 = vector.broadcast %gt3A_98 : f32 to vector<1000x1xf32>
    %gt3A_100 = arith.cmpf ogt, %slice3A_9, %gt3A_99 : vector<1000x1xf32>
    %and3A = arith.andi %gt3A_97, %gt3A_100 : vector<1000x1xi1>
    %convert_element_type3A = arith.extui %and3A : vector<1000x1xi1> to vector<1000x1xi32>
    %convert_element_type3A_101 = arith.sitofp %convert_element_type3A : vector<1000x1xi32> to vector<1000x1xf32>
    %mul3A = vector.broadcast %convert_element_type3A_101 : vector<1000x1xf32> to vector<1000x3xf32>
    %mul3A_102 = arith.mulf %slice3A_57, %mul3A : vector<1000x3xf32>
    %mul3A_103 = vector.broadcast %convert_element_type3A_101 : vector<1000x1xf32> to vector<1000x128xf32>
    %mul3A_104 = arith.mulf %slice3A_58, %mul3A_103 : vector<1000x128xf32>
    %mul3A_105 = arith.mulf %logistic3A_86, %convert_element_type3A_101 : vector<1000x1xf32>
    %concatenate3A = tpu.concatenate %mul3A_102, %mul3A_104, %mul3A_105 in 1 : vector<1000x3xf32>, vector<1000x128xf32>, vector<1000x1xf32> -> vector<1000x132xf32>
    %swap3A = arith.constant 0 : index
    %swap3A_106 = arith.constant 0 : index
    %swap3A_107 = vector.load %arg15[%swap3A, %swap3A_106] : memref<1000x132xf32, #tpu.memory_space<vmem>>, vector<1000x132xf32>
    tpu.vector_store %arg15[%swap3A, %swap3A_106], %concatenate3A {strides = array<i32>} : memref<1000x132xf32, #tpu.memory_space<vmem>>, vector<1000x132xf32>,
    return
  }
  func.func @transform_0(%arg0: i32) -> (i32, i32) {
    %c0_i32 = arith.constant 0 : i32
    %c0_i32_0 = arith.constant 0 : i32
    return %arg0, %c0_i32 : i32, i32
  }
  func.func @transform_1(%arg0: i32) -> (i32, i32, i32) {
    %c0_i32 = arith.constant 0 : i32
    %c0_i32_0 = arith.constant 0 : i32
    %c0_i32_1 = arith.constant 0 : i32
    return %c0_i32, %arg0, %c0_i32_0 : i32, i32, i32
  }
  func.func @transform_2(%arg0: i32) -> (i32, i32) {
    %c0_i32 = arith.constant 0 : i32
    %c0_i32_0 = arith.constant 0 : i32
    return %arg0, %c0_i32 : i32, i32
  }
  func.func @transform_3(%arg0: i32) -> (i32, i32) {
    %c0_i32 = arith.constant 0 : i32
    %c0_i32_0 = arith.constant 0 : i32
    %c0_i32_1 = arith.constant 0 : i32
    return %c0_i32, %c0_i32_0 : i32, i32
  }
  func.func @transform_4(%arg0: i32) -> (i32, i32) {
    %c0_i32 = arith.constant 0 : i32
    %c0_i32_0 = arith.constant 0 : i32
    %c0_i32_1 = arith.constant 0 : i32
    return %c0_i32, %c0_i32_0 : i32, i32
  }
  func.func @transform_5(%arg0: i32) -> (i32, i32) {
    %c0_i32 = arith.constant 0 : i32
    %c0_i32_0 = arith.constant 0 : i32
    %c0_i32_1 = arith.constant 0 : i32
    return %c0_i32, %c0_i32_0 : i32, i32
  }
  func.func @transform_6(%arg0: i32) -> (i32, i32) {
    %c0_i32 = arith.constant 0 : i32
    %c0_i32_0 = arith.constant 0 : i32
    %c0_i32_1 = arith.constant 0 : i32
    return %c0_i32, %c0_i32_0 : i32, i32
  }
  func.func @transform_7(%arg0: i32) -> (i32, i32) {
    %c0_i32 = arith.constant 0 : i32
    %c0_i32_0 = arith.constant 0 : i32
    %c0_i32_1 = arith.constant 0 : i32
    return %c0_i32, %c0_i32_0 : i32, i32
  }
  func.func @transform_8(%arg0: i32) -> (i32, i32) {
    %c0_i32 = arith.constant 0 : i32
    %c0_i32_0 = arith.constant 0 : i32
    %c0_i32_1 = arith.constant 0 : i32
    return %c0_i32, %c0_i32_0 : i32, i32
  }
  func.func @transform_9(%arg0: i32) -> (i32, i32) {
    %c0_i32 = arith.constant 0 : i32
    %c0_i32_0 = arith.constant 0 : i32
    %c0_i32_1 = arith.constant 0 : i32
    return %c0_i32, %c0_i32_0 : i32, i32
  }
  func.func @transform_10(%arg0: i32) -> (i32, i32) {
    %c0_i32 = arith.constant 0 : i32
    %c0_i32_0 = arith.constant 0 : i32
    %c0_i32_1 = arith.constant 0 : i32
    return %c0_i32, %c0_i32_0 : i32, i32
  }
  func.func @transform_11(%arg0: i32) -> (i32, i32) {
    %c0_i32 = arith.constant 0 : i32
    %c0_i32_0 = arith.constant 0 : i32
    %c0_i32_1 = arith.constant 0 : i32
    return %c0_i32, %c0_i32_0 : i32, i32
  }
  func.func @transform_12(%arg0: i32) -> (i32, i32) {
    %c0_i32 = arith.constant 0 : i32
    %c0_i32_0 = arith.constant 0 : i32
    %c0_i32_1 = arith.constant 0 : i32
    return %c0_i32, %c0_i32_0 : i32, i32
  }
  func.func @transform_13(%arg0: i32) -> (i32, i32) {
    %c0_i32 = arith.constant 0 : i32
    %c0_i32_0 = arith.constant 0 : i32
    %c0_i32_1 = arith.constant 0 : i32
    return %c0_i32, %c0_i32_0 : i32, i32
  }
  func.func @transform_14(%arg0: i32) -> (i32, i32) {
    %c0_i32 = arith.constant 0 : i32
    %c0_i32_0 = arith.constant 0 : i32
    return %arg0, %c0_i32 : i32, i32
  }
}

</mosaic_0001>

<sc_bundles>
// kernel: kernel.4.cloned.1.call-start
scs
__scs_entry_jumppad:
0x0: {  	(pc) =	sbr.rel $0x88, $3  }
0x1: {  	(tag) =	ssettag $0x0;
	lr =	simm.s32 $0x1  }
0x2: {  	[smem:$0x3F94] =	sst lr;
	_ =	strace $0xD0000000  }
0x3: {  	_ = 	snop  }
0x4: {  	_ = 	snop  }
0x5: {  	_ = 	snop  }
0x6: {  	_ = 	snop  }
0x7: {  	_ = 	snop  }
__scs_overlays_trampoline_lowered:
0x8: {  	[smem:$0x3FA3] =	sst s0  }
0x9: {  	[smem:$0x3FA4] =	sst s1  }
0xa: {  	[smem:$0x3FA5] =	sst s2  }
0xb: {  	[smem:$0x3FA6] =	sst s3  }
0xc: {  	[smem:$0x3FA7] =	sst s4  }
0xd: {  	[smem:$0x3FA8] =	sst s5  }
0xe: {  	[smem:$0x3FA9] =	sst s6  }
0xf: {  	[smem:$0x3FAA] =	sst s7  }
0x10: {  	[smem:$0x3FAB] =	sst s8  }
0x11: {  	[smem:$0x3FAC] =	sst s9;
	s0 =	simm.s32 @!p0 $0x0  }
0x12: {  	s1 =	sld [smem:$0x3F92];
	s0 =	simm.s32 @p0 $0x1  }
0x13: {  	[smem:$0x3FAD] =	sst s0;
	s0 =	simm.s32 @!p1 $0x0  }
0x14: {  	s2 =	sld [smem:$0x3F91];
	s0 =	simm.s32 @p1 $0x1  }
0x15: {  	[smem:$0x3FAE] =	sst s0;
	s0 =	simm.s32 @!p2 $0x0  }
0x16: {  	s3 =	sld [smem:$0x3FDB];
	s0 =	simm.s32 @p2 $0x1  }
0x17: {  	s4 =	simm.s32 $0x1BF5;
	[smem:$0x3FB0] =	sst s0  }
0x18: {  	s0 =	sld [smem:$0x3F93];
	_ =	swait.ge [sflag:s4], $0x0  }
0x19: {  	s7 =	sld [smem:$0x3F94]  }
0x1a: {  	s8 =	sadd.s32 $0xFFFFE003, lr  }
0x1b: {  	s9 =	sadd.s32 $0xFFFFFEF7, lr;
	s5 =	simm.s32 $0xFFFFFFFF;
	p2 =	slt.u32 s8, $0xFFFFF086  }
0x1c: {  	p1 =	slt.u32 s9, $0xF7A;
	s5 =	simm.s32 @!p2 $0x0  }
0x1d: {  	s5 =	simm.s32 @p1 $0x1;
	p0 =	seq.s32 s7, s2  }
0x1e: {  	s7 =	smul.u32 @!p0 $0xF7A, s2;
	p2 =	seq.s32 @!p0 s5, $0x0  }
0x1f: {  	s9 =	smul.u32 $0xF7A, s1;
	s8 =	simm.s32 @!p0 $0x1BF5;
	p2 =	por !p2, p0  }
0x20: {  	[sflag:s8] =	ssyncset.s32 @!p0 $0xFFFFF086;
	s6 =	sadd.s32 @!p0 s3, s7;
	s7 =	simm.s32 @!p0 $0x108  }
0x21: {  	s3 =	sadd.s32 s3, s9;
	s6 =	sadd.s32 @!p0 $0x88, s6;
	s7 =	simm.s32 @p2 $0x1082  }
0x22: {  	[simem:s7], [sflag:s8] =	dma.local @!p0 [hbm:s6], $0xF7A  }
0x23: {  	s9 =	sor.u32 $0xD0000000, s2;
	s6 =	simm.s32 $0x108;
	_ =	swait.ge @!p0 [sflag:s8], $0x0  }
0x24: {  	s3 =	sadd.s32 $0x88, s3;
	s6 =	simm.s32 @!p1 $0x1082;
	[sflag:s4] =	ssyncset.s32 $0xFFFFF086  }
0x25: {  	[simem:s6], [sflag:s4] =	dma.local [hbm:s3], $0xF7A  }
0x26: {  	[smem:$0x3F94] =	sst s1;
	(tag) =	ssettag s2;
	_ =	strace s9  }
0x27: {  	s1 =	sld [smem:$0x3FA4]  }
0x28: {  	s2 =	sld [smem:$0x3FA5]  }
0x29: {  	s4 =	sld [smem:$0x3FA7]  }
0x2a: {  	p0 =	seq.s32 s5, $0x0;
	s5 =	sld [smem:$0x3FA8]  }
0x2b: {  	s6 =	sld [smem:$0x3FA9]  }
0x2c: {  	s7 =	sld [smem:$0x3FAA]  }
0x2d: {  	s3 =	simm.s32 $0x108;
	s8 =	sld [smem:$0x3FAB]  }
0x2e: {  	s3 =	simm.s32 @!p0 $0x1082;
	s9 =	sld [smem:$0x3FAC]  }
0x2f: {  	lr =	sadd.s32 s0, s3;
	s0 =	sld [smem:$0x3FA3]  }
0x30: {  	s3 =	sld [smem:$0x3FA6]  }
0x31: {  	[smem:$0x3FAF] =	sst s10  }
0x32: {  	s10 =	sld [smem:$0x3FAD];
	_ =	sdelay $0x3  }
0x33: {  	p0 =	seq.s32 s10, $0x1;
	s10 =	sld [smem:$0x3FAF];
	_ =	sdelay $0x3  }
0x34: {  	[smem:$0x3FAF] =	sst s10  }
0x35: {  	s10 =	sld [smem:$0x3FAE];
	_ =	sdelay $0x3  }
0x36: {  	p1 =	seq.s32 s10, $0x1;
	s10 =	sld [smem:$0x3FAF];
	_ =	sdelay $0x3  }
0x37: {  	[smem:$0x3FAF] =	sst s10  }
0x38: {  	s10 =	sld [smem:$0x3FB0]  }
0x39: {  	_ = 	snop;
	(pc) =	sbr.ind lr, $3  }
0x3a: {  	_ = 	snop  }
0x3b: {  	_ = 	snop  }
0x3c: {  	p2 =	seq.s32 s10, $0x1;
	s10 =	sld [smem:$0x3FAF]  }
0x3d: {  	_ =	shalt  }
0x3e: {  	_ =	shalt  }
0x3f: {  	_ =	shalt  }
0x40: {  	_ =	shalt  }
0x41: {  	_ =	shalt  }
0x42: {  	_ =	shalt  }
0x43: {  	_ =	shalt  }
0x44: {  	_ =	shalt  }
0x45: {  	_ =	shalt  }
0x46: {  	_ =	shalt  }
0x47: {  	_ =	shalt  }
0x48: {  	_ =	shalt  }
0x49: {  	_ =	shalt  }
0x4a: {  	_ =	shalt  }
0x4b: {  	_ =	shalt  }
0x4c: {  	_ =	shalt  }
0x4d: {  	_ =	shalt  }
0x4e: {  	_ =	shalt  }
0x4f: {  	_ =	shalt  }
0x50: {  	_ =	shalt  }
0x51: {  	_ =	shalt  }
0x52: {  	_ =	shalt  }
0x53: {  	_ =	shalt  }
0x54: {  	_ =	shalt  }
0x55: {  	_ =	shalt  }
0x56: {  	_ =	shalt  }
0x57: {  	_ =	shalt  }
0x58: {  	_ =	shalt  }
0x59: {  	_ =	shalt  }
0x5a: {  	_ =	shalt  }
0x5b: {  	_ =	shalt  }
0x5c: {  	_ =	shalt  }
0x5d: {  	_ =	shalt  }
0x5e: {  	_ =	shalt  }
0x5f: {  	_ =	shalt  }
0x60: {  	_ =	shalt  }
0x61: {  	_ =	shalt  }
0x62: {  	_ =	shalt  }
0x63: {  	_ =	shalt  }
0x64: {  	_ =	shalt  }
0x65: {  	_ =	shalt  }
0x66: {  	_ =	shalt  }
0x67: {  	_ =	shalt  }
0x68: {  	_ =	shalt  }
0x69: {  	_ =	shalt  }
0x6a: {  	_ =	shalt  }
0x6b: {  	_ =	shalt  }
0x6c: {  	_ =	shalt  }
0x6d: {  	_ =	shalt  }
0x6e: {  	_ =	shalt  }
0x6f: {  	_ =	shalt  }
0x70: {  	_ =	shalt  }
0x71: {  	_ =	shalt  }
0x72: {  	_ =	shalt  }
0x73: {  	_ =	shalt  }
0x74: {  	_ =	shalt  }
0x75: {  	_ =	shalt  }
0x76: {  	_ =	shalt  }
0x77: {  	_ =	shalt  }
0x78: {  	_ =	shalt  }
0x79: {  	_ =	shalt  }
0x7a: {  	_ =	shalt  }
0x7b: {  	_ =	shalt  }
0x7c: {  	_ =	shalt  }
0x7d: {  	_ =	shalt  }
0x7e: {  	_ =	shalt  }
0x7f: {  	_ =	shalt  }
0x80: {  	_ =	shalt  }
0x81: {  	_ =	shalt  }
0x82: {  	_ =	shalt  }
0x83: {  	_ =	shalt  }
0x84: {  	_ =	shalt  }
0x85: {  	_ =	shalt  }
0x86: {  	_ =	shalt  }
0x87: {  	_ =	shalt  }
.Lfunc_end0:
.L_simem_size_0:
called_computation_lowered:
.L_overlay_start_0:
0x88: {  	s2 =	sld [smem:$0x3FD9]  }
0x89: {  	s3 =	sld [smem:$0x3FFE];
	_ =	sdelay $0x1  }
0x8a: {  	s1 =	srdreg.scid  }
0x8b: {  	s0 =	sand.u32 $0x1, s1  }
0x8c: {  	s17 =	sshll.u32 s0, $0xA;
	s2 =	sadd.s32 s3, s2  }
0x8d: {  	s2 =	sadd.s32 s2, s17  }
0x8e: {  	[smem:$0x3FBB] =	sst s2  }
0x8f: {  	_ = 	snop  }
0x90: {  	s2 =	sld [smem:$0x3FD0];
	(tm) =	ssettm $0x1  }
0x91: {  	s18 =	sld [smem:$0x3FFB];
	_ =	sdelay $0x3  }
0x92: {  	_ =	strace s18  }
0x93: {  	s3 =	sld [smem:$0x3FFC];
	_ =	sdelay $0x3  }
0x94: {  	_ =	strace s3  }
0x95: {  	s3 =	sld [smem:$0x3FFD];
	_ =	sdelay $0x3  }
0x96: {  	_ =	strace s3  }
0x97: {  	_ =	strace $0x8FFFFFFF  }
0x98: {  	s19 =	sld [smem:$0x3FDB];
	_ =	sdelay $0x1  }
0x99: {  	s4 =	simm.s32 $_scs_section_size  }
0x9a: {  	s5 =	simm.s32 $_size__tile_overlayer_lowered;
	s6 =	simm.s32 $_tile_overlayer_lowered  }
0x9b: {  	s22 =	simm.s32 $0x1BFF;
	s21 =	sshll.u32 s6, $0x1;
	s3 =	sadd.s32 s4, s19  }
0x9c: {  	s7 =	simm.s32 $0x0;
	s20 =	sshll.u32 s5, $0x1;
	s5 =	sadd.s32 s21, s3  }
0x9d: {  	[timem:s7], [sflag:s22] =	dma.local [hbm:s5], s20  }
0x9e: {  	_ =	swait.ge [sflag:s22], s20  }
0x9f: {  	s4 =	ssub.s32 $0x0, s20;
	[sflag:s22] =	ssyncset.done $0x0  }
0xa0: {  	[sflag:s22] =	ssyncadd.s32 s4;
	_ =	sdelay $0x1  }
0xa1: {  	s23 =	simm.s32 $0x1B8B  }
0xa2: {  	_ =	swait.ge [sflag:s23], $0x1  }
0xa3: {  	[sflag:s23] =	ssyncset.done $0x0  }
0xa4: {  	s25 =	simm.s32 $0x1B8E;
	s24 =	sld [smem:$0x3FFE];
	[sflag:s23] =	ssyncadd.s32 $0xFFFFFFFF  }
0xa5: {  	s26 =	simm.s32 $execute0_lowered;
	[smem:$0x3FD2] =	sst s25  }
0xa6: {  	s5 =	sshll.u32 s26, $0x1;
	_ =	strace $0x80000046;
	[dreg:$0x1] =	wrdreg $0xFFFFFFFF  }
0xa7: {  	s28 =	simm.s32 $_size_execute0_lowered;
	s3 =	sadd.s32 s3, s5;
	[dreg:$0x0] =	wrdreg $0x0  }
0xa8: {  	s5 =	sshll.u32 s28, $0x1;
	[dreg:$0x2] =	wrdreg s3  }
0xa9: {  	[dreg:$0x3] =	wrdreg s5  }
0xaa: {  	[dreg:$0x4] =	wrdreg $0xC0  }
0xab: {  	_ =	task [dreg:s7], $0x5FFFF  }
0xac: {  	[dreg:$0x1] =	wrdreg $0xFFFFFFFF  }
0xad: {  	[dreg:$0x0] =	wrdreg $0x60  }
0xae: {  	[dreg:$0x2] =	wrdreg s24  }
0xaf: {  	[dreg:$0x3] =	wrdreg s2  }
0xb0: {  	[dreg:$0x4] =	wrdreg $0x92000  }
0xb1: {  	[dreg:$0x5] =	wrdreg $0x9  }
0xb2: {  	_ =	task.clear_ibuf [dreg:s7], $0x6FFFF;
	_ =	strace $0x90000046  }
0xb3: {  	s29 =	simm.s32 $0x9;
	_ =	strace $0x80000048  }
0xb4: {  	_ =	swait.ge [sflag:s29], $0x1  }
0xb5: {  	[sflag:s29] =	ssyncadd.s32 $0xFFFFFFFF  }
0xb6: {  	_ =	strace $0x90000048  }
0xb7: {  	_ =	sfence  }
0xb8: {  	s30 =	sld [smem:$0x0];
	_ =	sdelay $0x2  }
0xb9: {  	s31 =	sshll.u32 s1, $0xD;
	s1 =	sshrl.u32 s1, $0x2  }
0xba: {  	s3 =	sand.u32 $0x4000, s31;
	s1 =	sadd.s32 s1, s30  }
0xbb: {  	s0 =	sor.u32 s3, s0;
	s1 =	sshll.u32 s1, $0x11  }
0xbc: {  	s0 =	sor.u32 s1, s0  }
0xbd: {  	s0 =	sadd.s32 $0x8F2B, s0  }
0xbe: {  	[sflag:s0] =	ssyncadd.remote.s32 $0x1  }
0xbf: {  	_ =	sfence.sel $0xFFFF  }
0xc0: {  	[dreg:$0x0] =	wrdreg $0xFFFFFFFF;
	(pc) =	sbr.abs _section_cstart, $3  }
0xc1: {  	[dreg:$0x1] =	wrdreg $0xFFFFFFFF  }
0xc2: {  	_ =	task.clear_ibuf [dreg:s7], $0x2FFFF;
	_ =	strace $0x9FFFFFFF  }
0xc3: {  	(tm) =	ssettm $0x7FFFFFFF  }
tec
execute0_lowered:
.L_overlay_start_1:
0x0: {  	(tag) =	ssettag $0x1  }
0x1: {  	s0 =	rddreg [dreg:$0x0]  }
0x2: {  	s25 =	rddreg [dreg:$0x1]  }
0x3: {  	s3 =	rddreg [dreg:$0x2]  }
0x4: {  	s1 =	srdreg.scid;
	s10 =	stileid.u32  }
0x5: {  	s4 =	simm.s32 $0x0;
	s30 =	simm.s32 $0x40;
	s31 =	simm.s32 $0xD  }
0x6: {  	s28 =	simm.s32 $0x4;
	s1 =	sand.u32 $0x1, s1;
	s2 =	smul.u32 $0x16800, s10  }
0x7: {  	[smem:$0x7FF] =	sst s4;
	s11 =	sadd.s32 $0x2E600, s0;
	s21 =	smul.u32 $0x4F00, s10  }
0x8: {  	s6 =	smul.u32 $0x168000, s1;
	s5 =	sshll.u32 s1, $0x4;
	_ =	strace $0x80000047  }
0x9: {  	s8 =	ssub.s32 $0x2, s1;
	s1 =	smul.u32 $0x4F000, s1;
	[dreg:$0xa] =	wrdreg s11  }
0xa: {  	s7 =	sor.u32 s10, s5;
	s5 =	sadd.s32 $0x1600, s0;
	s10 =	smul.u32 $0x5A000, s10  }
0xb: {  	s16 =	sshrl.u32 s8, $0x1;
	s6 =	sadd.s32 s2, s6;
	s7 =	smul.u32 $0x4F00, s7  }
0xc: {  	s1 =	sadd.s32 s21, s1;
	s2 =	sadd.s32 s2, s3;
	s6 =	sshrl.u32 s6, $0x3  }
0xd: {  	s23 =	sshrl.u32 s10, $0x2;
	s24 =	sadd.s32 $0x1C0, s1;
	s7 =	sshrl.u32 s7, $0x3  }
0xe: {  	[dreg:$0x13] =	wrdreg s2;
	s13 =	sadd.s32 $0x140, s1;
	s17 =	sadd.s32 s11, s7  }
0xf: {  	s2 =	sadd.s32 s23, s3;
	s9 =	sadd.s32 s25, s7;
	[dreg:$0xb] =	wrdreg s17  }
0x10: {  	s0 =	sadd.s32 s6, s0;
	s29 =	sadd.s32 $0x2400, s2;
	[dreg:$0xc] =	wrdreg s9  }
0x11: {  	s6 =	ssub.s32 s8, s16;
	s16 =	sadd.s32 $0x4800, s2;
	[dreg:$0x14] =	wrdreg s29  }
0x12: {  	s26 =	sshrl.u32 s24, $0x3;
	s21 =	sadd.s32 $0xB400, s2;
	[dreg:$0x15] =	wrdreg s16  }
0x13: {  	s15 =	sshrl.u32 s13, $0x3;
	s23 =	sadd.s32 $0xFC00, s2;
	[dreg:$0x18] =	wrdreg s21  }
0x14: {  	s13 =	simm.s32 $0xE;
	s24 =	sadd.s32 $0x12000, s2;
	[dreg:$0x1a] =	wrdreg s23  }
0x15: {  	s18 =	sor.u32 $0x8, s7;
	s0 =	sadd.s32 $0x42200, s0;
	[dreg:$0x1b] =	wrdreg s24  }
0x16: {  	s20 =	sor.u32 $0x10, s7;
	s19 =	sadd.s32 s11, s18;
	[dreg:$0x1d] =	wrdreg s0  }
0x17: {  	s7 =	sor.u32 $0x18, s7;
	s8 =	sadd.s32 s25, s18;
	[dreg:$0xd] =	wrdreg s19  }
0x18: {  	s12 =	sadd.s32 s11, s20;
	s22 =	sadd.s32 s11, s7;
	[dreg:$0xe] =	wrdreg s8  }
0x19: {  	s7 =	sadd.s32 s25, s7;
	s9 =	sadd.s32 $0x180, s1;
	[dreg:$0xf] =	wrdreg s12  }
0x1a: {  	s17 =	sadd.s32 s15, s25;
	s18 =	sadd.s32 $0x6C00, s2;
	[dreg:$0x11] =	wrdreg s22  }
0x1b: {  	s29 =	sadd.s32 $0x100, s1;
	s1 =	simm.s32 $0x100;
	[dreg:$0x12] =	wrdreg s7  }
0x1c: {  	s16 =	simm.s32 $0x10;
	s21 =	simm.s32 $0x6;
	[dreg:$0x16] =	wrdreg s18  }
0x1d: {  	s23 =	simm.s32 $0x3;
	s24 =	simm.s32 $0x7;
	[dreg:$0x8] =	wrdreg s17  }
0x1e: {  	s12 =	smov.u32 s3;
	s8 =	sadd.s32 s25, s20;
	[dreg:$0x1f] =	wrdreg s29  }
0x1f: {  	s3 =	sadd.s32 s26, s25;
	s7 =	sadd.s32 s26, s11;
	[dreg:$0x10] =	wrdreg s8  }
0x20: {  	s9 =	sshrl.u32 s9, $0x3;
	s19 =	sadd.s32 s15, s11;
	[dreg:$0x4] =	wrdreg s3  }
0x21: {  	s20 =	sadd.s32 $0x9000, s2;
	s22 =	sadd.s32 $0xD800, s2;
	[dreg:$0x5] =	wrdreg s7  }
0x22: {  	s2 =	sadd.s32 $0x14400, s2;
	s26 =	smax.u32 s6, $0x1;
	[dreg:$0x17] =	wrdreg s20  }
0x23: {  	s17 =	simm.s32 $0x1;
	s18 =	simm.s32 $0x5;
	[dreg:$0x9] =	wrdreg s19  }
0x24: {  	s15 =	simm.s32 $0x2600;
	s6 =	simm.s32 $0x0;
	[dreg:$0x19] =	wrdreg s22  }
0x25: {  	s10 =	sadd.s32 s9, s25;
	s14 =	sadd.s32 s9, s11;
	[dreg:$0x1c] =	wrdreg s2  }
0x26: {  	[dreg:$0x1e] =	wrdreg s26;
	s7 =	simm.s32 $0x140;
	s9 =	simm.s32 $0x80  }
0x27: {  	s19 =	simm.s32 $0x180;
	s22 =	simm.s32 $0xC0;
	s8 =	simm.s32 $0x200  }
0x28: {  	s20 =	simm.s32 $0x2;
	s11 =	simm.s32 $0x4A00;
	s26 =	simm.s32 $0x8  }
0x29: {  	s2 =	simm.s32 $0x9;
	s3 =	simm.s32 $0xA;
	[dreg:$0x6] =	wrdreg s10  }
0x2a: {  	v0 =	vimm.f32 $0.0e+00;
	[dreg:$0x7] =	wrdreg s14;
	s10 =	simm.s32 $0x1C0;
	s14 =	simm.s32 $0xF  }
.LBB2_1:
0x2b: {  	[smem:$0x7FD] =	sst s6  }
0x2c: {  	s0 =	rddreg [dreg:$0xb]  }
0x2d: {  	[tilespmem:s4], [sflag:$0x1] =	stream.linear.gather [hbm4b:s0+s4], $0x40, $0x38;
	[tilespmem:$0x1FA00] =	vst v63  }
0x2e: {  	s6 =	rddreg [dreg:$0xc]  }
0x2f: {  	[tilespmem:s1], [sflag:$0x5] =	stream.linear.gather [hbm4b:s6+s4], $0x40, $0x38;
	[tilespmem:$0x1FA00] =	vst v63  }
0x30: {  	s6 =	rddreg [dreg:$0xd]  }
0x31: {  	[tilespmem:s30], [sflag:$0x2] =	stream.linear.gather [hbm4b:s6+s4], $0x40, $0x38;
	[tilespmem:$0x1FA00] =	vst v63  }
0x32: {  	s6 =	rddreg [dreg:$0xe]  }
0x33: {  	[tilespmem:s7], [sflag:$0x6] =	stream.linear.gather [hbm4b:s6+s4], $0x40, $0x38;
	[tilespmem:$0x1FA00] =	vst v63  }
0x34: {  	s6 =	rddreg [dreg:$0xf]  }
0x35: {  	[tilespmem:s9], [sflag:$0x3] =	stream.linear.gather [hbm4b:s6+s4], $0x40, $0x38;
	[tilespmem:$0x1FA00] =	vst v63  }
0x36: {  	s6 =	rddreg [dreg:$0x10]  }
0x37: {  	[tilespmem:s19], [sflag:$0x7] =	stream.linear.gather [hbm4b:s6+s4], $0x40, $0x38;
	[tilespmem:$0x1FA00] =	vst v63  }
0x38: {  	s6 =	rddreg [dreg:$0x11]  }
0x39: {  	[tilespmem:s22], [sflag:$0x4] =	stream.linear.gather [hbm4b:s6+s4], $0x40, $0x38;
	[tilespmem:$0x1FA00] =	vst v63  }
0x3a: {  	s6 =	rddreg [dreg:$0x12]  }
0x3b: {  	[tilespmem:s10], [sflag:$0x8] =	stream.linear.gather [hbm4b:s6+s4], $0x40, $0x38;
	[tilespmem:$0x1FA00] =	vst v63  }
0x3c: {  	s29 =	simm.s32 $0x240;
	s6 =	simm.s32 $0x0  }
.LBB2_2:
0x3d: {  	p0 =	sne.s32 s29, $0x8DC0;
	[tilespmem:s6+$0x280] =	vst v0  }
0x3e: {  	[tilespmem:s6+$0x200] =	vst v0  }
0x3f: {  	[tilespmem:s6+$0x210] =	vst v0  }
0x40: {  	[tilespmem:s6+$0x220] =	vst v0  }
.Ltmp0:
0x41: {  	[tilespmem:s6+$0x230] =	vst v0;
	(pc) =	sbr.rel @p0 .LBB2_2-.Ltmp0, $4  }
0x42: {  	[tilespmem:s6+$0x240] =	vst v0  }
0x43: {  	[tilespmem:s6+$0x250] =	vst v0  }
0x44: {  	[tilespmem:s6+$0x260] =	vst v0  }
0x45: {  	[tilespmem:s6+$0x270] =	vst v0;
	s6 =	sshra.s32 s29, $0x2;
	s29 =	sadd.s32 $0x240, s29  }
0x46: {  	[tilespmem:s6+$0x280] =	vst v0  }
0x47: {  	[tilespmem:s6+$0x200] =	vst v0  }
0x48: {  	[tilespmem:s6+$0x210] =	vst v0  }
0x49: {  	[tilespmem:s6+$0x220] =	vst v0  }
0x4a: {  	[tilespmem:s6+$0x230] =	vst v0  }
0x4b: {  	[tilespmem:s6+$0x240] =	vst v0  }
0x4c: {  	[tilespmem:s6+$0x250] =	vst v0  }
0x4d: {  	[tilespmem:s6+$0x260] =	vst v0  }
0x4e: {  	[tilespmem:s6+$0x270] =	vst v0;
	s0 =	rddreg [dreg:$0x13]  }
0x4f: {  	[spmem:s0] =	stream.linear.scatter [tilespmem:s8], [sflag:$0xD], $0x2400, $0x38;
	[tilespmem:$0x1FA00] =	vst v63  }
0x50: {  	s6 =	rddreg [dreg:$0x14]  }
0x51: {  	[spmem:s6] =	stream.linear.scatter [tilespmem:s8], [sflag:$0xE], $0x2400, $0x38;
	[tilespmem:$0x1FA00] =	vst v63  }
0x52: {  	s6 =	rddreg [dreg:$0x15]  }
0x53: {  	[spmem:s6] =	stream.linear.scatter [tilespmem:s8], [sflag:$0xF], $0x2400, $0x38;
	[tilespmem:$0x1FA00] =	vst v63  }
0x54: {  	s6 =	rddreg [dreg:$0x16]  }
0x55: {  	[spmem:s6] =	stream.linear.scatter [tilespmem:s8], [sflag:$0x10], $0x2400, $0x38;
	[tilespmem:$0x1FA00] =	vst v63  }
0x56: {  	s6 =	rddreg [dreg:$0x17]  }
0x57: {  	[spmem:s6] =	stream.linear.scatter [tilespmem:s8], [sflag:$0xD], $0x2400, $0x38;
	[tilespmem:$0x1FA00] =	vst v63  }
0x58: {  	s6 =	rddreg [dreg:$0x18]  }
0x59: {  	[spmem:s6] =	stream.linear.scatter [tilespmem:s8], [sflag:$0xE], $0x2400, $0x38;
	[tilespmem:$0x1FA00] =	vst v63  }
0x5a: {  	s6 =	rddreg [dreg:$0x19]  }
0x5b: {  	[spmem:s6] =	stream.linear.scatter [tilespmem:s8], [sflag:$0xF], $0x2400, $0x38;
	[tilespmem:$0x1FA00] =	vst v63  }
0x5c: {  	s6 =	rddreg [dreg:$0x1a]  }
0x5d: {  	[spmem:s6] =	stream.linear.scatter [tilespmem:s8], [sflag:$0x10], $0x2400, $0x38;
	[tilespmem:$0x1FA00] =	vst v63  }
0x5e: {  	s6 =	rddreg [dreg:$0x1b]  }
0x5f: {  	[spmem:s6] =	stream.linear.scatter [tilespmem:s8], [sflag:$0xD], $0x2400, $0x38;
	[tilespmem:$0x1FA00] =	vst v63  }
0x60: {  	s6 =	rddreg [dreg:$0x1c]  }
0x61: {  	[spmem:s6] =	stream.linear.scatter [tilespmem:s8], [sflag:$0xE], $0x2400, $0x38;
	[tilespmem:$0x1FA00] =	vst v63  }
0x62: {  	_ =	swait.ge [sflag:s31], $0x2400  }
0x63: {  	[sflag:s31] =	ssyncset.done $0x0  }
0x64: {  	[sflag:s31] =	ssyncadd.s32 $0xFFFFDC00  }
0x65: {  	_ =	swait.ge [sflag:s13], $0x2400  }
0x66: {  	[sflag:s13] =	ssyncset.done $0x0  }
0x67: {  	[sflag:s13] =	ssyncadd.s32 $0xFFFFDC00  }
0x68: {  	_ =	swait.ge [sflag:s14], $0x2400  }
0x69: {  	[sflag:s14] =	ssyncset.done $0x0  }
0x6a: {  	[sflag:s14] =	ssyncadd.s32 $0xFFFFDC00  }
0x6b: {  	_ =	swait.ge [sflag:s16], $0x2400  }
0x6c: {  	[sflag:s16] =	ssyncset.done $0x0  }
0x6d: {  	[sflag:s16] =	ssyncadd.s32 $0xFFFFDC00  }
0x6e: {  	_ =	swait.ge [sflag:s31], $0x2400  }
0x6f: {  	[sflag:s31] =	ssyncset.done $0x0  }
0x70: {  	[sflag:s31] =	ssyncadd.s32 $0xFFFFDC00  }
0x71: {  	_ =	swait.ge [sflag:s13], $0x2400  }
0x72: {  	[sflag:s13] =	ssyncset.done $0x0  }
0x73: {  	[sflag:s13] =	ssyncadd.s32 $0xFFFFDC00  }
0x74: {  	_ =	swait.ge [sflag:s14], $0x2400  }
0x75: {  	[sflag:s14] =	ssyncset.done $0x0  }
0x76: {  	[sflag:s14] =	ssyncadd.s32 $0xFFFFDC00  }
0x77: {  	_ =	swait.ge [sflag:s16], $0x2400  }
0x78: {  	[sflag:s16] =	ssyncset.done $0x0  }
0x79: {  	[sflag:s16] =	ssyncadd.s32 $0xFFFFDC00  }
0x7a: {  	_ =	swait.ge [sflag:s31], $0x2400  }
0x7b: {  	[sflag:s31] =	ssyncset.done $0x0  }
0x7c: {  	[sflag:s31] =	ssyncadd.s32 $0xFFFFDC00  }
0x7d: {  	_ =	swait.ge [sflag:s13], $0x2400  }
0x7e: {  	[sflag:s13] =	ssyncset.done $0x0  }
0x7f: {  	[sflag:s13] =	ssyncadd.s32 $0xFFFFDC00  }
0x80: {  	[bflag:$0x0] =	sbarrier.arrive $0xFFFF  }
0x81: {  	_ =	swait.ge [sflag:s17], $0x40  }
0x82: {  	[sflag:s17] =	ssyncset.done $0x0  }
0x83: {  	[sflag:s17] =	ssyncadd.s32 $0xFFFFFFC0  }
0x84: {  	_ =	swait.ge [sflag:s18], $0x40  }
0x85: {  	[sflag:s18] =	ssyncset.done $0x0  }
0x86: {  	s0 =	simm.s32 $0x0;
	[sflag:s18] =	ssyncadd.s32 $0xFFFFFFC0  }
0x87: {  	[tilespmem:s8], [sflag:$0x9] =	stream.indirect.gather [hbm4b:s5+s30], $0x90, s0, s30, $0xb8;
	[tilespmem:$0x1FA00] =	vst v63  }
0x88: {  	_ =	swait.ge [sflag:s20], $0x40  }
0x89: {  	[sflag:s20] =	ssyncset.done $0x0  }
0x8a: {  	[sflag:s20] =	ssyncadd.s32 $0xFFFFFFC0  }
0x8b: {  	_ =	swait.ge [sflag:s21], $0x40  }
0x8c: {  	[sflag:s21] =	ssyncset.done $0x0  }
0x8d: {  	[sflag:s21] =	ssyncadd.s32 $0xFFFFFFC0  }
0x8e: {  	[tilespmem:s15], [sflag:$0xA] =	stream.indirect.gather [hbm4b:s5+s30], $0x90, s30, s30, $0xb8;
	[tilespmem:$0x1FA00] =	vst v63  }
0x8f: {  	_ =	swait.ge [sflag:s23], $0x40  }
0x90: {  	[sflag:s23] =	ssyncset.done $0x0  }
0x91: {  	[sflag:s23] =	ssyncadd.s32 $0xFFFFFFC0  }
0x92: {  	_ =	swait.ge [sflag:s24], $0x40  }
0x93: {  	[sflag:s24] =	ssyncset.done $0x0  }
0x94: {  	[sflag:s24] =	ssyncadd.s32 $0xFFFFFFC0  }
0x95: {  	[tilespmem:s11], [sflag:$0xB] =	stream.indirect.gather [hbm4b:s5+s30], $0x90, s9, s30, $0xb8;
	[tilespmem:$0x1FA00] =	vst v63  }
0x96: {  	_ =	swait.ge [sflag:s28], $0x40  }
0x97: {  	[sflag:s28] =	ssyncset.done $0x0  }
0x98: {  	[sflag:s28] =	ssyncadd.s32 $0xFFFFFFC0  }
0x99: {  	_ =	swait.ge [sflag:s26], $0x40  }
0x9a: {  	[sflag:s26] =	ssyncset.done $0x0  }
0x9b: {  	s8 =	simm.s32 $0x6E00;
	[sflag:s26] =	ssyncadd.s32 $0xFFFFFFC0  }
0x9c: {  	[tilespmem:s8], [sflag:$0xC] =	stream.indirect.gather [hbm4b:s5+s30], $0x90, s22, s30, $0xb8;
	[tilespmem:$0x1FA00] =	vst v63  }
0x9d: {  	_ =	swait.ge [sflag:s2], $0x2400  }
0x9e: {  	s0 =	rddreg [dreg:$0x1f]  }
0x9f: {  	[sflag:s2] =	ssyncset.done $0x0;
	s11 =	rddreg [dreg:$0xa];
	s6 =	sshrl.u32 s0, $0x3  }
0xa0: {  	[sflag:s2] =	ssyncadd.s32 $0xFFFFDC00;
	s29 =	sadd.s32 s11, s6  }
0xa1: {  	[tilespmem:s4], [sflag:$0x1] =	stream.linear.gather [hbm4b:s29+s4], $0x40, $0x38;
	[tilespmem:$0x1FA00] =	vst v63  }
0xa2: {  	s6 =	sadd.s32 s25, s6  }
0xa3: {  	[tilespmem:s1], [sflag:$0x5] =	stream.linear.gather [hbm4b:s6+s4], $0x40, $0x38;
	[tilespmem:$0x1FA00] =	vst v63  }
0xa4: {  	s8 =	simm.s32 $0x200  }
0xa5: {  	[spmem:s12] =	stream.indirect.scatter.add.f32 [tilespmem:s8], [sflag:$0xD], $0x90, s1, s30, $0xb8;
	[tilespmem:$0x1FA00] =	vst v63  }
0xa6: {  	_ =	swait.ge [sflag:s3], $0x2400  }
0xa7: {  	s2 =	rddreg [dreg:$0x9];
	[sflag:s3] =	ssyncset.done $0x0  }
0xa8: {  	s29 =	rddreg [dreg:$0x8];
	[sflag:s3] =	ssyncadd.s32 $0xFFFFDC00;
	s6 =	sadd.s32 $0x0, s2  }
0xa9: {  	[tilespmem:s30], [sflag:$0x2] =	stream.linear.gather [hbm4b:s6+s4], $0x40, $0x38;
	[tilespmem:$0x1FA00] =	vst v63  }
0xaa: {  	s3 =	sadd.s32 $0x0, s29  }
0xab: {  	[tilespmem:s7], [sflag:$0x6] =	stream.linear.gather [hbm4b:s3+s4], $0x40, $0x38;
	[tilespmem:$0x1FA00] =	vst v63  }
0xac: {  	s11 =	simm.s32 $0xB  }
0xad: {  	[spmem:s12] =	stream.indirect.scatter.add.f32 [tilespmem:s15], [sflag:$0xE], $0x90, s7, s30, $0xb8;
	[tilespmem:$0x1FA00] =	vst v63  }
0xae: {  	_ =	swait.ge [sflag:s11], $0x2400  }
0xaf: {  	s25 =	rddreg [dreg:$0x7];
	[sflag:s11] =	ssyncset.done $0x0  }
0xb0: {  	s29 =	rddreg [dreg:$0x6];
	[sflag:s11] =	ssyncadd.s32 $0xFFFFDC00;
	s6 =	sadd.s32 $0x0, s25  }
0xb1: {  	[tilespmem:s9], [sflag:$0x3] =	stream.linear.gather [hbm4b:s6+s4], $0x40, $0x38;
	[tilespmem:$0x1FA00] =	vst v63  }
0xb2: {  	s7 =	sadd.s32 $0x0, s29  }
0xb3: {  	[tilespmem:s19], [sflag:$0x7] =	stream.linear.gather [hbm4b:s7+s4], $0x40, $0x38;
	[tilespmem:$0x1FA00] =	vst v63  }
0xb4: {  	s2 =	simm.s32 $0x4A00;
	s11 =	simm.s32 $0xC  }
0xb5: {  	[spmem:s12] =	stream.indirect.scatter.add.f32 [tilespmem:s2], [sflag:$0xF], $0x90, s19, s30, $0xb8;
	[tilespmem:$0x1FA00] =	vst v63  }
0xb6: {  	_ =	swait.ge [sflag:s11], $0x2400  }
0xb7: {  	s19 =	rddreg [dreg:$0x5];
	[sflag:s11] =	ssyncset.done $0x0  }
0xb8: {  	s29 =	rddreg [dreg:$0x4];
	[sflag:s11] =	ssyncadd.s32 $0xFFFFDC00;
	s6 =	sadd.s32 $0x0, s19  }
0xb9: {  	[tilespmem:s22], [sflag:$0x4] =	stream.linear.gather [hbm4b:s6+s4], $0x40, $0x38;
	[tilespmem:$0x1FA00] =	vst v63  }
0xba: {  	s25 =	sadd.s32 $0x0, s29  }
0xbb: {  	[tilespmem:s10], [sflag:$0x8] =	stream.linear.gather [hbm4b:s25+s4], $0x40, $0x38;
	[tilespmem:$0x1FA00] =	vst v63  }
0xbc: {  	s1 =	simm.s32 $0x6E00  }
0xbd: {  	[spmem:s12] =	stream.indirect.scatter.add.f32 [tilespmem:s1], [sflag:$0x10], $0x90, s10, s30, $0xb8;
	[tilespmem:$0x1FA00] =	vst v63  }
0xbe: {  	_ =	swait.ge [sflag:s31], $0x2400  }
0xbf: {  	[sflag:s31] =	ssyncset.done $0x0  }
0xc0: {  	[sflag:s31] =	ssyncadd.s32 $0xFFFFDC00  }
0xc1: {  	_ =	swait.ge [sflag:s17], $0x40  }
0xc2: {  	[sflag:s17] =	ssyncset.done $0x0  }
0xc3: {  	[sflag:s17] =	ssyncadd.s32 $0xFFFFFFC0  }
0xc4: {  	_ =	swait.ge [sflag:s18], $0x40  }
0xc5: {  	[sflag:s18] =	ssyncset.done $0x0  }
0xc6: {  	[sflag:s18] =	ssyncadd.s32 $0xFFFFFFC0  }
0xc7: {  	[tilespmem:s8], [sflag:$0x9] =	stream.indirect.gather [hbm4b:s5+s30], $0x90, s4, s30, $0xb8;
	[tilespmem:$0x1FA00] =	vst v63  }
0xc8: {  	_ =	swait.ge [sflag:s13], $0x2400  }
0xc9: {  	[sflag:s13] =	ssyncset.done $0x0  }
0xca: {  	[sflag:s13] =	ssyncadd.s32 $0xFFFFDC00  }
0xcb: {  	_ =	swait.ge [sflag:s20], $0x40  }
0xcc: {  	[sflag:s20] =	ssyncset.done $0x0  }
0xcd: {  	[sflag:s20] =	ssyncadd.s32 $0xFFFFFFC0  }
0xce: {  	_ =	swait.ge [sflag:s21], $0x40  }
0xcf: {  	[sflag:s21] =	ssyncset.done $0x0  }
0xd0: {  	[sflag:s21] =	ssyncadd.s32 $0xFFFFFFC0  }
0xd1: {  	[tilespmem:s15], [sflag:$0xA] =	stream.indirect.gather [hbm4b:s5+s30], $0x90, s30, s30, $0xb8;
	[tilespmem:$0x1FA00] =	vst v63  }
0xd2: {  	_ =	swait.ge [sflag:s14], $0x2400  }
0xd3: {  	[sflag:s14] =	ssyncset.done $0x0  }
0xd4: {  	[sflag:s14] =	ssyncadd.s32 $0xFFFFDC00  }
0xd5: {  	_ =	swait.ge [sflag:s23], $0x40  }
0xd6: {  	[sflag:s23] =	ssyncset.done $0x0  }
0xd7: {  	[sflag:s23] =	ssyncadd.s32 $0xFFFFFFC0  }
0xd8: {  	_ =	swait.ge [sflag:s24], $0x40  }
0xd9: {  	[sflag:s24] =	ssyncset.done $0x0  }
0xda: {  	[sflag:s24] =	ssyncadd.s32 $0xFFFFFFC0  }
0xdb: {  	[tilespmem:s2], [sflag:$0xB] =	stream.indirect.gather [hbm4b:s5+s30], $0x90, s9, s30, $0xb8;
	[tilespmem:$0x1FA00] =	vst v63  }
0xdc: {  	_ =	swait.ge [sflag:s16], $0x2400  }
0xdd: {  	[sflag:s16] =	ssyncset.done $0x0  }
0xde: {  	s3 =	simm.s32 $0xA;
	s29 =	sadd.s32 $0x100, s0;
	[sflag:s16] =	ssyncadd.s32 $0xFFFFDC00  }
0xdf: {  	s6 =	simm.s32 $0x20;
	s18 =	simm.s32 $0x1;
	_ =	swait.ge [sflag:s28], $0x40  }
0xe0: {  	s8 =	simm.s32 $0x9;
	s13 =	simm.s32 $0xD;
	[sflag:s28] =	ssyncset.done $0x0  }
0xe1: {  	s20 =	simm.s32 $0x5;
	s21 =	simm.s32 $0x2;
	[sflag:s28] =	ssyncadd.s32 $0xFFFFFFC0  }
0xe2: {  	s15 =	simm.s32 $0x4;
	s14 =	simm.s32 $0xE;
	_ =	swait.ge [sflag:s26], $0x40  }
0xe3: {  	s23 =	simm.s32 $0x6;
	s24 =	simm.s32 $0x3;
	[sflag:s26] =	ssyncset.done $0x0  }
0xe4: {  	s2 =	simm.s32 $0x8;
	[sflag:s26] =	ssyncadd.s32 $0xFFFFFFC0;
	s26 =	simm.s32 $0x7  }
.LBB2_4:
0xe5: {  	s17 =	simm.s32 $0xC0  }
0xe6: {  	[tilespmem:s1], [sflag:$0xC] =	stream.indirect.gather [hbm4b:s5+s30], $0x90, s17, s30, $0xb8;
	[tilespmem:$0x1FA00] =	vst v63  }
0xe7: {  	_ =	swait.ge [sflag:s8], $0x2400  }
0xe8: {  	s0 =	sshrl.u32 s29, $0x3;
	[sflag:s8] =	ssyncset.done $0x0;
	s22 =	rddreg [dreg:$0xa]  }
0xe9: {  	[sflag:s8] =	ssyncadd.s32 $0xFFFFDC00;
	s1 =	sadd.s32 s22, s0  }
0xea: {  	[tilespmem:s4], [sflag:$0x1] =	stream.linear.gather [hbm4b:s1+s4], $0x40, $0x38;
	[tilespmem:$0x1FA00] =	vst v63  }
0xeb: {  	s25 =	rddreg [dreg:$0x1]  }
0xec: {  	s28 =	simm.s32 $0x100;
	s0 =	sadd.s32 s25, s0  }
0xed: {  	[tilespmem:s28], [sflag:$0x5] =	stream.linear.gather [hbm4b:s0+s4], $0x40, $0x38;
	[tilespmem:$0x1FA00] =	vst v63  }
0xee: {  	s7 =	simm.s32 $0x200  }
0xef: {  	[spmem:s12] =	stream.indirect.scatter.add.f32 [tilespmem:s7], [sflag:$0xD], $0x90, s28, s30, $0xb8;
	[tilespmem:$0x1FA00] =	vst v63  }
0xf0: {  	_ =	swait.ge [sflag:s3], $0x2400  }
0xf1: {  	s31 =	smov.u32 s6;
	s9 =	rddreg [dreg:$0x9];
	[sflag:s3] =	ssyncset.done $0x0  }
0xf2: {  	s10 =	rddreg [dreg:$0x8];
	[sflag:s3] =	ssyncadd.s32 $0xFFFFDC00;
	s0 =	sadd.s32 s31, s9  }
0xf3: {  	[tilespmem:s30], [sflag:$0x2] =	stream.linear.gather [hbm4b:s0+s4], $0x40, $0x38;
	[tilespmem:$0x1FA00] =	vst v63  }
0xf4: {  	s19 =	simm.s32 $0x140;
	s16 =	sadd.s32 s31, s10  }
0xf5: {  	[tilespmem:s19], [sflag:$0x6] =	stream.linear.gather [hbm4b:s16+s4], $0x40, $0x38;
	[tilespmem:$0x1FA00] =	vst v63  }
0xf6: {  	s9 =	simm.s32 $0x2600;
	s10 =	simm.s32 $0xB  }
0xf7: {  	[spmem:s12] =	stream.indirect.scatter.add.f32 [tilespmem:s9], [sflag:$0xE], $0x90, s19, s30, $0xb8;
	[tilespmem:$0x1FA00] =	vst v63  }
0xf8: {  	_ =	swait.ge [sflag:s10], $0x2400  }
0xf9: {  	s16 =	simm.s32 $0x80;
	s25 =	rddreg [dreg:$0x7];
	[sflag:s10] =	ssyncset.done $0x0  }
0xfa: {  	s28 =	rddreg [dreg:$0x6];
	[sflag:s10] =	ssyncadd.s32 $0xFFFFDC00;
	s0 =	sadd.s32 s31, s25  }
0xfb: {  	[tilespmem:s16], [sflag:$0x3] =	stream.linear.gather [hbm4b:s0+s4], $0x40, $0x38;
	[tilespmem:$0x1FA00] =	vst v63  }
0xfc: {  	s19 =	sadd.s32 s31, s28;
	s25 =	simm.s32 $0x180  }
0xfd: {  	[tilespmem:s25], [sflag:$0x7] =	stream.linear.gather [hbm4b:s19+s4], $0x40, $0x38;
	[tilespmem:$0x1FA00] =	vst v63  }
0xfe: {  	s28 =	simm.s32 $0x4A00;
	s0 =	simm.s32 $0xC  }
0xff: {  	[spmem:s12] =	stream.indirect.scatter.add.f32 [tilespmem:s28], [sflag:$0xF], $0x90, s25, s30, $0xb8;
	[tilespmem:$0x1FA00] =	vst v63  }
0x100: {  	_ =	swait.ge [sflag:s0], $0x2400  }
0x101: {  	s25 =	rddreg [dreg:$0x5];
	[sflag:s0] =	ssyncset.done $0x0  }
0x102: {  	s1 =	rddreg [dreg:$0x4];
	[sflag:s0] =	ssyncadd.s32 $0xFFFFDC00;
	s0 =	sadd.s32 s31, s25  }
0x103: {  	[tilespmem:s17], [sflag:$0x4] =	stream.linear.gather [hbm4b:s0+s4], $0x40, $0x38;
	[tilespmem:$0x1FA00] =	vst v63  }
0x104: {  	s10 =	sadd.s32 s31, s1;
	s31 =	simm.s32 $0x1C0  }
0x105: {  	[tilespmem:s31], [sflag:$0x8] =	stream.linear.gather [hbm4b:s10+s4], $0x40, $0x38;
	[tilespmem:$0x1FA00] =	vst v63  }
0x106: {  	s1 =	simm.s32 $0x6E00  }
0x107: {  	[spmem:s12] =	stream.indirect.scatter.add.f32 [tilespmem:s1], [sflag:$0x10], $0x90, s31, s30, $0xb8;
	[tilespmem:$0x1FA00] =	vst v63  }
0x108: {  	_ =	swait.ge [sflag:s13], $0x2400  }
0x109: {  	[sflag:s13] =	ssyncset.done $0x0  }
0x10a: {  	[sflag:s13] =	ssyncadd.s32 $0xFFFFDC00  }
0x10b: {  	_ =	swait.ge [sflag:s18], $0x40  }
0x10c: {  	[sflag:s18] =	ssyncset.done $0x0  }
0x10d: {  	[sflag:s18] =	ssyncadd.s32 $0xFFFFFFC0  }
0x10e: {  	_ =	swait.ge [sflag:s20], $0x40  }
0x10f: {  	[sflag:s20] =	ssyncset.done $0x0  }
0x110: {  	[sflag:s20] =	ssyncadd.s32 $0xFFFFFFC0  }
0x111: {  	[tilespmem:s7], [sflag:$0x9] =	stream.indirect.gather [hbm4b:s5+s30], $0x90, s4, s30, $0xb8;
	[tilespmem:$0x1FA00] =	vst v63  }
0x112: {  	_ =	swait.ge [sflag:s14], $0x2400  }
0x113: {  	[sflag:s14] =	ssyncset.done $0x0  }
0x114: {  	[sflag:s14] =	ssyncadd.s32 $0xFFFFDC00  }
0x115: {  	_ =	swait.ge [sflag:s21], $0x40  }
0x116: {  	[sflag:s21] =	ssyncset.done $0x0  }
0x117: {  	[sflag:s21] =	ssyncadd.s32 $0xFFFFFFC0  }
0x118: {  	_ =	swait.ge [sflag:s23], $0x40  }
0x119: {  	[sflag:s23] =	ssyncset.done $0x0  }
0x11a: {  	s17 =	simm.s32 $0xF;
	[sflag:s23] =	ssyncadd.s32 $0xFFFFFFC0  }
0x11b: {  	[tilespmem:s9], [sflag:$0xA] =	stream.indirect.gather [hbm4b:s5+s30], $0x90, s30, s30, $0xb8;
	[tilespmem:$0x1FA00] =	vst v63  }
0x11c: {  	_ =	swait.ge [sflag:s17], $0x2400  }
0x11d: {  	[sflag:s17] =	ssyncset.done $0x0  }
0x11e: {  	[sflag:s17] =	ssyncadd.s32 $0xFFFFDC00  }
0x11f: {  	_ =	swait.ge [sflag:s24], $0x40  }
0x120: {  	[sflag:s24] =	ssyncset.done $0x0  }
0x121: {  	[sflag:s24] =	ssyncadd.s32 $0xFFFFFFC0  }
0x122: {  	_ =	swait.ge [sflag:s26], $0x40  }
0x123: {  	[sflag:s26] =	ssyncset.done $0x0  }
0x124: {  	[sflag:s26] =	ssyncadd.s32 $0xFFFFFFC0  }
0x125: {  	[tilespmem:s28], [sflag:$0xB] =	stream.indirect.gather [hbm4b:s5+s30], $0x90, s16, s30, $0xb8;
	[tilespmem:$0x1FA00] =	vst v63  }
0x126: {  	s28 =	simm.s32 $0x10  }
0x127: {  	_ =	swait.ge [sflag:s28], $0x2400  }
0x128: {  	[sflag:s28] =	ssyncset.done $0x0  }
0x129: {  	[sflag:s28] =	ssyncadd.s32 $0xFFFFDC00  }
0x12a: {  	p0 =	sne.s32 s6, $0x9A0;
	s6 =	sadd.s32 $0x20, s6;
	_ =	swait.ge [sflag:s15], $0x40  }
.Ltmp1:
0x12b: {  	s11 =	simm.s32 $0x100;
	[sflag:s15] =	ssyncset.done $0x0;
	(pc) =	sbr.rel @p0 .LBB2_4-.Ltmp1, $4  }
0x12c: {  	s29 =	sadd.s32 $0x100, s29;
	s22 =	simm.s32 $0x140;
	[sflag:s15] =	ssyncadd.s32 $0xFFFFFFC0  }
0x12d: {  	s19 =	simm.s32 $0x180;
	s25 =	simm.s32 $0xC0;
	_ =	swait.ge [sflag:s2], $0x40  }
0x12e: {  	s0 =	simm.s32 $0x200;
	s10 =	simm.s32 $0x1C0;
	[sflag:s2] =	ssyncset.done $0x0  }
0x12f: {  	s31 =	simm.s32 $0x2600;
	s7 =	simm.s32 $0x4A00;
	[sflag:s2] =	ssyncadd.s32 $0xFFFFFFC0  }
0x130: {  	[tilespmem:s1], [sflag:$0xC] =	stream.indirect.gather [hbm4b:s5+s30], $0x90, s25, s30, $0xb8;
	[tilespmem:$0x1FA00] =	vst v63  }
0x131: {  	_ =	swait.ge [sflag:s8], $0x2400  }
0x132: {  	[sflag:s8] =	ssyncset.done $0x0  }
0x133: {  	[sflag:s8] =	ssyncadd.s32 $0xFFFFDC00  }
0x134: {  	[spmem:s12] =	stream.indirect.scatter.add.f32 [tilespmem:s0], [sflag:$0xD], $0x90, s11, s30, $0xb8;
	[tilespmem:$0x1FA00] =	vst v63  }
0x135: {  	_ =	swait.ge [sflag:s3], $0x2400  }
0x136: {  	[sflag:s3] =	ssyncset.done $0x0  }
0x137: {  	s18 =	simm.s32 $0xB;
	[sflag:s3] =	ssyncadd.s32 $0xFFFFDC00  }
0x138: {  	[spmem:s12] =	stream.indirect.scatter.add.f32 [tilespmem:s31], [sflag:$0xE], $0x90, s22, s30, $0xb8;
	[tilespmem:$0x1FA00] =	vst v63  }
0x139: {  	_ =	swait.ge [sflag:s18], $0x2400  }
0x13a: {  	[sflag:s18] =	ssyncset.done $0x0  }
0x13b: {  	s20 =	simm.s32 $0xC;
	[sflag:s18] =	ssyncadd.s32 $0xFFFFDC00  }
0x13c: {  	[spmem:s12] =	stream.indirect.scatter.add.f32 [tilespmem:s7], [sflag:$0xF], $0x90, s19, s30, $0xb8;
	[tilespmem:$0x1FA00] =	vst v63  }
0x13d: {  	_ =	swait.ge [sflag:s20], $0x2400  }
0x13e: {  	[sflag:s20] =	ssyncset.done $0x0  }
0x13f: {  	[sflag:s20] =	ssyncadd.s32 $0xFFFFDC00  }
0x140: {  	[spmem:s12] =	stream.indirect.scatter.add.f32 [tilespmem:s1], [sflag:$0x10], $0x90, s10, s30, $0xb8;
	[tilespmem:$0x1FA00] =	vst v63  }
0x141: {  	_ =	swait.ge [sflag:s13], $0x2400  }
0x142: {  	[sflag:s13] =	ssyncset.done $0x0  }
0x143: {  	[sflag:s13] =	ssyncadd.s32 $0xFFFFDC00  }
0x144: {  	_ =	swait.ge [sflag:s14], $0x2400  }
0x145: {  	[sflag:s14] =	ssyncset.done $0x0  }
0x146: {  	s21 =	simm.s32 $0xF;
	[sflag:s14] =	ssyncadd.s32 $0xFFFFDC00  }
0x147: {  	_ =	swait.ge [sflag:s21], $0x2400  }
0x148: {  	[sflag:s21] =	ssyncset.done $0x0  }
0x149: {  	s22 =	simm.s32 $0x10;
	[sflag:s21] =	ssyncadd.s32 $0xFFFFDC00  }
0x14a: {  	_ =	swait.ge [sflag:s22], $0x2400  }
0x14b: {  	[sflag:s22] =	ssyncset.done $0x0  }
0x14c: {  	[sflag:s22] =	ssyncadd.s32 $0xFFFFDC00  }
0x14d: {  	s23 =	stileid.u32;
	[bflag:$0x0] =	sbarrier.arrive $0xFFFF  }
0x14e: {  	s25 =	simm.s32 $0x11;
	s0 =	sshll.u32 s23, $0x6;
	s24 =	rddreg [dreg:$0x13]  }
0x14f: {  	s0 =	sor.u32 $0x1C11, s0;
	s6 =	rddreg [dreg:$0x1d];
	s1 =	sshrl.u32 s24, $0x3  }
0x150: {  	[hbm:s6], [sflag:s0] =	dma.local [spmem:s1], $0x2D00  }
0x151: {  	s9 =	simm.s32 $0x80;
	_ =	swait.ge [sflag:s25], $0x2D00  }
0x152: {  	s16 =	simm.s32 $0x10;
	s17 =	simm.s32 $0x1;
	s26 =	sld [smem:$0x7FD]  }
0x153: {  	s28 =	simm.s32 $0x4;
	s15 =	simm.s32 $0x2600;
	s2 =	simm.s32 $0x9  }
0x154: {  	s8 =	simm.s32 $0x200;
	s23 =	simm.s32 $0x3;
	s11 =	simm.s32 $0x4A00  }
0x155: {  	s3 =	simm.s32 $0xA;
	s29 =	rddreg [dreg:$0x1e];
	s6 =	sadd.s32 $0x1, s26  }
0x156: {  	s31 =	simm.s32 $0xD;
	s18 =	simm.s32 $0x5;
	p0 =	sne.s32 s6, s29  }
.Ltmp2:
0x157: {  	s7 =	simm.s32 $0x140;
	s19 =	simm.s32 $0x180;
	(pc) =	sbr.rel @p0 .LBB2_1-.Ltmp2, $4  }
0x158: {  	s20 =	simm.s32 $0x2;
	s10 =	simm.s32 $0x1C0;
	s13 =	simm.s32 $0xE  }
0x159: {  	s14 =	simm.s32 $0xF;
	s21 =	simm.s32 $0x6;
	[sflag:s25] =	ssyncset.done $0x0  }
0x15a: {  	s22 =	simm.s32 $0xC0;
	s24 =	simm.s32 $0x7;
	[sflag:s25] =	ssyncadd.s32 $0xFFFFD300  }
0x15b: {  	s1 =	simm.s32 $0x100;
	s25 =	rddreg [dreg:$0x1];
	s26 =	simm.s32 $0x8  }
0x15c: {  	_ =	sfence.sel $0x180000  }
0x15d: {  	[bflag:$0x0] =	sbarrier.arrive $0xFFFF  }
0x15e: {  	_ =	strace $0x90000047  }
0x15f: {  	s0 =	stileid.u32;
	[bflag:$0x2] =	sbarrier.arrive $0xFFFF  }
0x160: {  	p0 =	sne.s32 s0, $0x0;
	s0 =	rddreg [dreg:$0x3]  }
0x161: {  	s0 =	sadd.s32 @!p0 $0x100000, s0  }
0x162: {  	[sflag:s0] =	ssyncadd.tile.s32 @!p0 $0x1;
	_ =	shalt  }
.Lfunc_end2:
_tile_overlayer_lowered:
.L_overlay_start_2:
0x163: {  	(tag) =	ssettag $0x2  }
0x164: {  	s0 =	rddreg [dreg:$0x0];
	s2 =	stileid.u32  }
0x165: {  	s1 =	rddreg [dreg:$0x1];
	p0 =	sne.s32 s2, $0x0  }
0x166: {  	s3 =	rddreg [dreg:$0x2];
	[bflag:$0x3] =	sbarrier.arrive $0xFFFF;
	s2 =	simm.s32 @!p0 $0x1C11  }
0x167: {  	[timem:s3], [sflag:s2] =	dma.local @!p0 [hbm:s0], s1  }
0x168: {  	s0 =	simm.s32 @!p0 $0x11  }
0x169: {  	_ =	swait.ge @!p0 [sflag:s0], s1  }
0x16a: {  	s1 =	ssub.s32 @!p0 $0x0, s1;
	[sflag:s0] =	ssyncset.done @!p0 $0x0  }
0x16b: {  	[sflag:s0] =	ssyncadd.s32 @!p0 s1  }
0x16c: {  	[bflag:$0x3] =	sbarrier.arrive $0xFFFF  }
0x16d: {  	_ =	shalt  }

</sc_bundles>
